<compile_context>
chip_gen: v7x
topology: tpu7x:2x2x1
jax: 0.10.2.dev20260603
libtpu: 0.0.44.dev20260713+nightly
codegen_flags: <defaults>
</compile_context>

<pallas_src>
import functools

import jax
import jax.numpy as jnp
from jax import lax
from jax.experimental import pallas as pl
from jax.experimental.pallas import tpu as pltpu
from jax.experimental.pallas import tpu_sc as plsc

N = 10000
E = 320000
D = 128
NC = 2
NS = 16
NW = NC * NS
EPW = E // NW
CH = 96
NCHK = 105
EPWP = NCHK * CH
EPTD = 10048
EPD = NW * EPTD
NP = 10240
PADDST = NP - 8
RPS = NP // NS

_mesh = plsc.VectorSubcoreMesh(core_axis_name="c", subcore_axis_name="s")
_sc_params = pltpu.CompilerParams(needs_layout_passes=False)

@functools.partial(
    pl.kernel,
    out_type=jax.ShapeDtypeStruct((NW * NP,), jnp.float32),
    mesh=_mesh,
    scratch_types=[
        pltpu.VMEM((NP,), jnp.float32),
        pltpu.VMEM((EPTD,), jnp.int32),
    ],
    compiler_params=_sc_params,
)
def _deg_sc(dst_hbm, out_hbm, hist, idx):
    c = lax.axis_index("c")
    s = lax.axis_index("s")
    wid = c * NS + s
    zeros16 = jnp.zeros((16,), jnp.float32)
    ones16 = jnp.ones((16,), jnp.float32)

    def zbody(i, _):
        hist[pl.ds(i * 16, 16)] = zeros16
        return ()

    lax.fori_loop(0, NP // 16, zbody, ())
    pltpu.sync_copy(dst_hbm.at[pl.ds(wid * EPTD, EPTD)], idx)

    def body(i, _):
        iv = idx[pl.ds(i * 16, 16)]
        plsc.addupdate_scatter(hist, [iv], ones16)
        return ()

    lax.fori_loop(0, EPTD // 16, body, ())
    pltpu.sync_copy(hist, out_hbm.at[pl.ds(wid * NP, NP)])


@functools.partial(
    pl.kernel,
    out_type=jax.ShapeDtypeStruct((NC, NP, D), jnp.float32),
    mesh=_mesh,
    scratch_types=[
        pltpu.VMEM((EPWP,), jnp.int32),
        pltpu.VMEM((NCHK, CH), jnp.int32),
        pltpu.VMEM((CH, D), jnp.float32),
        pltpu.VMEM((CH, D), jnp.float32),
        pltpu.VMEM_SHARED((NP, D), jnp.float32),
        pltpu.SemaphoreType.DMA,
        pltpu.SemaphoreType.DMA,
    ],
    compiler_params=_sc_params,
)
def _scatter_sc(src_hbm, dst_hbm, g_hbm, out_hbm,
                isv, idv, rows_a, rows_b, acc, sem_a, sem_b):
    c = lax.axis_index("c")
    s = lax.axis_index("s")
    wid = c * NS + s

    pltpu.sync_copy(src_hbm.at[wid], isv)
    pltpu.sync_copy(dst_hbm.at[wid], idv)

    zeros16 = jnp.zeros((16,), jnp.float32)

    def zrow(r, _):
        for jc in range(D // 16):
            rows_a[r, pl.ds(jc * 16, 16)] = zeros16
        return ()

    lax.fori_loop(0, CH, zrow, ())
    ZB = 80
    for j in range(RPS // ZB):
        pltpu.sync_copy(rows_a.at[pl.ds(0, ZB)],
                        acc.at[pl.ds(s * RPS + j * ZB, ZB)])

    plsc.subcore_barrier()

    def isl(i):
        return isv.at[pl.ds(i * CH, CH)]

    pltpu.async_copy(g_hbm.at[isl(0)], rows_a, sem_a)

    def body(i2, _):
        ia = 2 * i2
        ib = ia + 1
        pltpu.async_copy(g_hbm.at[isl(ib)], rows_b, sem_b)
        pltpu.make_async_copy(g_hbm.at[isl(ia)], rows_a, sem_a).wait()
        pltpu.sync_copy(rows_a, acc.at[idv.at[ia]], add=True)
        pltpu.async_copy(g_hbm.at[isl(ia + 2)], rows_a, sem_a)
        pltpu.make_async_copy(g_hbm.at[isl(ib)], rows_b, sem_b).wait()
        pltpu.sync_copy(rows_b, acc.at[idv.at[ib]], add=True)
        return ()

    lax.fori_loop(0, (NCHK - 1) // 2, body, ())
    pltpu.make_async_copy(g_hbm.at[isl(NCHK - 1)], rows_a, sem_a).wait()
    pltpu.sync_copy(rows_a, acc.at[idv.at[NCHK - 1]], add=True)
    plsc.subcore_barrier()
    pltpu.sync_copy(acc.at[pl.ds(s * RPS, RPS)],
                    out_hbm.at[c, pl.ds(s * RPS, RPS)])


BN = 400


def _dinv_body(p_ref, o_ref):
    deg = jnp.sum(p_ref[...], axis=0) + 1.0
    o_ref[...] = lax.rsqrt(deg)[:N, None]


_dinv_tc = pl.pallas_call(
    _dinv_body,
    out_shape=jax.ShapeDtypeStruct((N, 1), jnp.float32),
)


def _mm1_body(x_ref, w_ref, dv_ref, o_ref):
    h = jnp.dot(x_ref[...], w_ref[...], preferred_element_type=jnp.float32)
    o_ref[...] = h * dv_ref[...]


_mm1_tc = pl.pallas_call(
    _mm1_body,
    grid=(N // BN,),
    in_specs=[
        pl.BlockSpec((BN, D), lambda i: (i, 0)),
        pl.BlockSpec((D, D), lambda i: (0, 0)),
        pl.BlockSpec((BN, 1), lambda i: (i, 0)),
    ],
    out_specs=pl.BlockSpec((BN, D), lambda i: (i, 0)),
    out_shape=jax.ShapeDtypeStruct((N, D), jnp.float32),
)


def _mid_body(s_ref, g1_ref, dv_ref, b1_ref, w2_ref, o_ref):
    ssum = s_ref[0] + s_ref[1]
    agg = (ssum + g1_ref[...]) * dv_ref[...] + b1_ref[...]
    h1 = jnp.maximum(agg, 0.0)
    h2 = jnp.dot(h1, w2_ref[...], preferred_element_type=jnp.float32)
    o_ref[...] = h2 * dv_ref[...]


_mid_tc = pl.pallas_call(
    _mid_body,
    grid=(N // BN,),
    in_specs=[
        pl.BlockSpec((NC, BN, D), lambda i: (0, i, 0)),
        pl.BlockSpec((BN, D), lambda i: (i, 0)),
        pl.BlockSpec((BN, 1), lambda i: (i, 0)),
        pl.BlockSpec((1, D), lambda i: (0, 0)),
        pl.BlockSpec((D, D), lambda i: (0, 0)),
    ],
    out_specs=pl.BlockSpec((BN, D), lambda i: (i, 0)),
    out_shape=jax.ShapeDtypeStruct((N, D), jnp.float32),
)


def _fin_body(s_ref, g2_ref, dv_ref, b2_ref, o_ref):
    ssum = s_ref[0] + s_ref[1]
    o_ref[...] = (ssum + g2_ref[...]) * dv_ref[...] + b2_ref[...]


_fin_tc = pl.pallas_call(
    _fin_body,
    grid=(N // BN,),
    in_specs=[
        pl.BlockSpec((NC, BN, D), lambda i: (0, i, 0)),
        pl.BlockSpec((BN, D), lambda i: (i, 0)),
        pl.BlockSpec((BN, 1), lambda i: (i, 0)),
        pl.BlockSpec((1, D), lambda i: (0, 0)),
    ],
    out_specs=pl.BlockSpec((BN, D), lambda i: (i, 0)),
    out_shape=jax.ShapeDtypeStruct((N, D), jnp.float32),
)


def kernel(x, edge_index, W1, b1, W2, b2):
    src = edge_index[0].astype(jnp.int32)
    dst = edge_index[1].astype(jnp.int32)
    dstd = jnp.concatenate([dst, jnp.full((EPD - E,), PADDST, jnp.int32)])
    padw = jnp.zeros((NW, EPWP - EPW), jnp.int32)
    srcr = jnp.concatenate([src.reshape(NW, EPW), padw], axis=1)
    dstr = jnp.concatenate([dst.reshape(NW, EPW), padw + PADDST],
                           axis=1).reshape(NW, NCHK, CH)
    degp = _deg_sc(dstd).reshape(NW, NP)
    dinv = _dinv_tc(degp)
    g1 = _mm1_tc(x, W1, dinv)
    s1 = _scatter_sc(srcr, dstr, g1)
    g2 = _mid_tc(s1, g1, dinv, b1.reshape(1, D), W2)
    s2 = _scatter_sc(srcr, dstr, g2)
    return _fin_tc(s2, g2, dinv, b2.reshape(1, D))

# --- scband reference (transcript-rebuilt; emitter-appended) ---
"""Pipeline reference for scband-gcn-4269197492792 (READ-ONLY COPY).

The authoritative reference and input builder live on the scoring server;
editing this copy changes nothing except your own understanding.
"""

import jax, jax.numpy as jnp
import numpy as np

N_NODES = 10000
N_EDGES = 320000
D = 128


def setup_inputs(seed: int = 0) -> dict:
    key = jax.random.key(seed)
    k1, k2, k3, k4, k5, k6 = jax.random.split(key, 6)
    x = jax.random.normal(k1, (N_NODES, D), dtype=jnp.float32)
    edge_index = jax.random.randint(k2, (2, N_EDGES), 0, N_NODES, dtype=jnp.int64)
    # GCNConv weights: W shape [in, out] so we compute x @ W, plus bias.
    s1 = 1.0 / np.sqrt(D)
    W1 = jax.random.uniform(k3, (D, D), dtype=jnp.float32, minval=-s1, maxval=s1)
    b1 = jnp.zeros((D,), dtype=jnp.float32)
    W2 = jax.random.uniform(k4, (D, D), dtype=jnp.float32, minval=-s1, maxval=s1)
    b2 = jnp.zeros((D,), dtype=jnp.float32)
    return {"x": x, "edge_index": edge_index, "W1": W1, "b1": b1, "W2": W2, "b2": b2}


def _gcn_conv(x, src, dst, W, b, num_nodes):
    # PyG GCNConv: add self-loops (done by caller), symmetric normalization,
    # x' = D^{-1/2} (A + I) D^{-1/2} X W + b
    h = x @ W
    deg = jnp.zeros((num_nodes,), dtype=x.dtype).at[dst].add(1.0)
    dinv = jnp.where(deg > 0, 1.0 / jnp.sqrt(deg), 0.0)
    norm = dinv[src] * dinv[dst]
    msg = h[src] * norm[:, None]
    out = jax.ops.segment_sum(msg, dst, num_segments=num_nodes)
    return out + b


def reference(x, edge_index, W1, b1, W2, b2):
    num_nodes = x.shape[0]
    # add self-loops once (same edge_index used by every layer)
    loop = jnp.arange(num_nodes, dtype=edge_index.dtype)
    src = jnp.concatenate([edge_index[0], loop])
    dst = jnp.concatenate([edge_index[1], loop])
    h = _gcn_conv(x, src, dst, W1, b1, num_nodes)
    h = jax.nn.relu(h)
    # dropout is identity in eval mode
    out = _gcn_conv(h, src, dst, W2, b2, num_nodes)
    return out

if __name__ == "__main__":
    import jax
    _d = setup_inputs()
    print(jax.jit(kernel)(*tuple(_d.values())))

</pallas_src>

<mosaic_0001>
#map = affine_map<(d0, d1) -> (0, 0)>
#map1 = affine_map<(d0, d1) -> (0, 0, 0)>
module attributes {stable_mosaic.version = 14 : i64} {
  func.func @_scatter_sc(%arg0: i32, %arg1: i32, %arg2: memref<32x10080xi32, #tpu.memory_space<hbm>>, %arg3: memref<32x105x96xi32, #tpu.memory_space<hbm>>, %arg4: memref<10000x128xf32, #tpu.memory_space<hbm>>, %arg5: memref<2x10240x128xf32, #tpu.memory_space<hbm>>, %arg6: memref<10080xi32, #tpu.memory_space<vmem>>, %arg7: memref<105x96xi32, #tpu.memory_space<vmem>>, %arg8: memref<96x128xf32, #tpu.memory_space<vmem>>, %arg9: memref<96x128xf32, #tpu.memory_space<vmem>>, %arg10: memref<10240x128xf32, #tpu.memory_space<vmem_shared>>, %arg11: memref<!tpu.dma_semaphore, #tpu.memory_space<semaphore_mem>>, %arg12: memref<!tpu.dma_semaphore, #tpu.memory_space<semaphore_mem>>) attributes {dimension_semantics = [#tpu.dimension_semantics<core_parallel>, #tpu.dimension_semantics<subcore_parallel>], iteration_bounds = array<i64: 2, 16>, scalar_prefetch = 0 : i64, scratch_operands = 7 : i64, tpu.core_type = #tpu.core_type<sc_vector_subcore>, window_params = [{transform_indices = #map}, {transform_indices = #map1}, {transform_indices = #map}, {transform_indices = #map1}]} {
    %mul3A = arith.constant 16 : i32
    %mul3A_0 = arith.muli %arg0, %mul3A : i32
    %add3A = arith.addi %mul3A_0, %arg1 : i32
    "tpu.region"() ({
      %run_scoped3A_56 = tpu.sem_alloc : memref<!tpu.dma_semaphore, #tpu.memory_space<semaphore_mem>>
      %dma_start3A_57 = arith.constant 0 : i32
      %dma_start3A_58 = tpu.memref_slice %arg2[%add3A, %dma_start3A_57] : memref<32x10080xi32, #tpu.memory_space<hbm>> -> memref<1x10080xi32, #tpu.memory_space<hbm>>
      %dma_start3A_59 = tpu.memref_squeeze %dma_start3A_58 : memref<1x10080xi32, #tpu.memory_space<hbm>> -> memref<10080xi32, #tpu.memory_space<hbm>>
      %dma_start3A_60 = arith.constant 0 : i32
      %dma_start3A_61 = tpu.memref_slice %arg2[%add3A, %dma_start3A_60] : memref<32x10080xi32, #tpu.memory_space<hbm>> -> memref<1x10080xi32, #tpu.memory_space<hbm>>
      %dma_start3A_62 = tpu.memref_squeeze %dma_start3A_61 : memref<1x10080xi32, #tpu.memory_space<hbm>> -> memref<10080xi32, #tpu.memory_space<hbm>>
      tpu.enqueue_dma source(%dma_start3A_62 : memref<10080xi32, #tpu.memory_space<hbm>>) target(%arg6 : memref<10080xi32, #tpu.memory_space<vmem>>) target_semaphore(%run_scoped3A_56 : memref<!tpu.dma_semaphore, #tpu.memory_space<semaphore_mem>>)
      %dma_wait3A_63 = arith.constant 0 : i32
      %dma_wait3A_64 = tpu.memref_slice %arg2[%add3A, %dma_wait3A_63] : memref<32x10080xi32, #tpu.memory_space<hbm>> -> memref<1x10080xi32, #tpu.memory_space<hbm>>
      %dma_wait3A_65 = tpu.memref_squeeze %dma_wait3A_64 : memref<1x10080xi32, #tpu.memory_space<hbm>> -> memref<10080xi32, #tpu.memory_space<hbm>>
      %dma_wait3A_66 = arith.constant 0 : i32
      %dma_wait3A_67 = tpu.memref_slice %arg2[%add3A, %dma_wait3A_66] : memref<32x10080xi32, #tpu.memory_space<hbm>> -> memref<1x10080xi32, #tpu.memory_space<hbm>>
      %dma_wait3A_68 = tpu.memref_squeeze %dma_wait3A_67 : memref<1x10080xi32, #tpu.memory_space<hbm>> -> memref<10080xi32, #tpu.memory_space<hbm>>
      tpu.wait_dma2 semaphore(%run_scoped3A_56 : memref<!tpu.dma_semaphore, #tpu.memory_space<semaphore_mem>>) src(%dma_wait3A_68 : memref<10080xi32, #tpu.memory_space<hbm>>) dst(%arg6 : memref<10080xi32, #tpu.memory_space<vmem>>)
      tpu.yield
    }) : () -> ()
    "tpu.region"() ({
      %run_scoped3A_56 = tpu.sem_alloc : memref<!tpu.dma_semaphore, #tpu.memory_space<semaphore_mem>>
      %dma_start3A_57 = arith.constant 0 : i32
      %dma_start3A_58 = arith.constant 0 : i32
      %dma_start3A_59 = tpu.memref_slice %arg3[%add3A, %dma_start3A_57, %dma_start3A_58] : memref<32x105x96xi32, #tpu.memory_space<hbm>> -> memref<1x105x96xi32, #tpu.memory_space<hbm>>
      %dma_start3A_60 = tpu.memref_squeeze %dma_start3A_59 : memref<1x105x96xi32, #tpu.memory_space<hbm>> -> memref<105x96xi32, #tpu.memory_space<hbm>>
      %dma_start3A_61 = arith.constant 0 : i32
      %dma_start3A_62 = arith.constant 0 : i32
      %dma_start3A_63 = tpu.memref_slice %arg3[%add3A, %dma_start3A_61, %dma_start3A_62] : memref<32x105x96xi32, #tpu.memory_space<hbm>> -> memref<1x105x96xi32, #tpu.memory_space<hbm>>
      %dma_start3A_64 = tpu.memref_squeeze %dma_start3A_63 : memref<1x105x96xi32, #tpu.memory_space<hbm>> -> memref<105x96xi32, #tpu.memory_space<hbm>>
      tpu.enqueue_dma source(%dma_start3A_64 : memref<105x96xi32, #tpu.memory_space<hbm>>) target(%arg7 : memref<105x96xi32, #tpu.memory_space<vmem>>) target_semaphore(%run_scoped3A_56 : memref<!tpu.dma_semaphore, #tpu.memory_space<semaphore_mem>>)
      %dma_wait3A_65 = arith.constant 0 : i32
      %dma_wait3A_66 = arith.constant 0 : i32
      %dma_wait3A_67 = tpu.memref_slice %arg3[%add3A, %dma_wait3A_65, %dma_wait3A_66] : memref<32x105x96xi32, #tpu.memory_space<hbm>> -> memref<1x105x96xi32, #tpu.memory_space<hbm>>
      %dma_wait3A_68 = tpu.memref_squeeze %dma_wait3A_67 : memref<1x105x96xi32, #tpu.memory_space<hbm>> -> memref<105x96xi32, #tpu.memory_space<hbm>>
      %dma_wait3A_69 = arith.constant 0 : i32
      %dma_wait3A_70 = arith.constant 0 : i32
      %dma_wait3A_71 = tpu.memref_slice %arg3[%add3A, %dma_wait3A_69, %dma_wait3A_70] : memref<32x105x96xi32, #tpu.memory_space<hbm>> -> memref<1x105x96xi32, #tpu.memory_space<hbm>>
      %dma_wait3A_72 = tpu.memref_squeeze %dma_wait3A_71 : memref<1x105x96xi32, #tpu.memory_space<hbm>> -> memref<105x96xi32, #tpu.memory_space<hbm>>
      tpu.wait_dma2 semaphore(%run_scoped3A_56 : memref<!tpu.dma_semaphore, #tpu.memory_space<semaphore_mem>>) src(%dma_wait3A_72 : memref<105x96xi32, #tpu.memory_space<hbm>>) dst(%arg7 : memref<105x96xi32, #tpu.memory_space<vmem>>)
      tpu.yield
    }) : () -> ()
    %broadcast_in_dim3A = arith.constant 0.000000e+00 : f32
    %broadcast_in_dim3A_1 = vector.broadcast %broadcast_in_dim3A : f32 to vector<16xf32>
    %scan3A = arith.constant 0 : i32
    %scan3A_2 = arith.constant 96 : i32
    %scan3A_3 = arith.addi %scan3A, %scan3A_2 : i32
    %scan3A_4 = arith.constant 1 : i32
    scf.for %scan3A_56 = %scan3A to %scan3A_3 step %scan3A_4  : i32 {
      %swap3A = arith.index_cast %scan3A_56 : i32 to index
      %swap3A_57 = arith.constant 0 : index
      %swap3A_58 = tpu.vector_load %arg8[%swap3A, %swap3A_57] {strides = array<i32>} : memref<96x128xf32, #tpu.memory_space<vmem>>, vector<16xf32>,
      tpu.vector_store %arg8[%swap3A, %swap3A_57], %broadcast_in_dim3A_1 {strides = array<i32>} : memref<96x128xf32, #tpu.memory_space<vmem>>, vector<16xf32>,
      %swap3A_59 = arith.index_cast %scan3A_56 : i32 to index
      %swap3A_60 = arith.constant 16 : index
      %swap3A_61 = tpu.vector_load %arg8[%swap3A_59, %swap3A_60] {strides = array<i32>} : memref<96x128xf32, #tpu.memory_space<vmem>>, vector<16xf32>,
      tpu.vector_store %arg8[%swap3A_59, %swap3A_60], %broadcast_in_dim3A_1 {strides = array<i32>} : memref<96x128xf32, #tpu.memory_space<vmem>>, vector<16xf32>,
      %swap3A_62 = arith.index_cast %scan3A_56 : i32 to index
      %swap3A_63 = arith.constant 32 : index
      %swap3A_64 = tpu.vector_load %arg8[%swap3A_62, %swap3A_63] {strides = array<i32>} : memref<96x128xf32, #tpu.memory_space<vmem>>, vector<16xf32>,
      tpu.vector_store %arg8[%swap3A_62, %swap3A_63], %broadcast_in_dim3A_1 {strides = array<i32>} : memref<96x128xf32, #tpu.memory_space<vmem>>, vector<16xf32>,
      %swap3A_65 = arith.index_cast %scan3A_56 : i32 to index
      %swap3A_66 = arith.constant 48 : index
      %swap3A_67 = tpu.vector_load %arg8[%swap3A_65, %swap3A_66] {strides = array<i32>} : memref<96x128xf32, #tpu.memory_space<vmem>>, vector<16xf32>,
      tpu.vector_store %arg8[%swap3A_65, %swap3A_66], %broadcast_in_dim3A_1 {strides = array<i32>} : memref<96x128xf32, #tpu.memory_space<vmem>>, vector<16xf32>,
      %swap3A_68 = arith.index_cast %scan3A_56 : i32 to index
      %swap3A_69 = arith.constant 64 : index
      %swap3A_70 = tpu.vector_load %arg8[%swap3A_68, %swap3A_69] {strides = array<i32>} : memref<96x128xf32, #tpu.memory_space<vmem>>, vector<16xf32>,
      tpu.vector_store %arg8[%swap3A_68, %swap3A_69], %broadcast_in_dim3A_1 {strides = array<i32>} : memref<96x128xf32, #tpu.memory_space<vmem>>, vector<16xf32>,
      %swap3A_71 = arith.index_cast %scan3A_56 : i32 to index
      %swap3A_72 = arith.constant 80 : index
      %swap3A_73 = tpu.vector_load %arg8[%swap3A_71, %swap3A_72] {strides = array<i32>} : memref<96x128xf32, #tpu.memory_space<vmem>>, vector<16xf32>,
      tpu.vector_store %arg8[%swap3A_71, %swap3A_72], %broadcast_in_dim3A_1 {strides = array<i32>} : memref<96x128xf32, #tpu.memory_space<vmem>>, vector<16xf32>,
      %swap3A_74 = arith.index_cast %scan3A_56 : i32 to index
      %swap3A_75 = arith.constant 96 : index
      %swap3A_76 = tpu.vector_load %arg8[%swap3A_74, %swap3A_75] {strides = array<i32>} : memref<96x128xf32, #tpu.memory_space<vmem>>, vector<16xf32>,
      tpu.vector_store %arg8[%swap3A_74, %swap3A_75], %broadcast_in_dim3A_1 {strides = array<i32>} : memref<96x128xf32, #tpu.memory_space<vmem>>, vector<16xf32>,
      %swap3A_77 = arith.index_cast %scan3A_56 : i32 to index
      %swap3A_78 = arith.constant 112 : index
      %swap3A_79 = tpu.vector_load %arg8[%swap3A_77, %swap3A_78] {strides = array<i32>} : memref<96x128xf32, #tpu.memory_space<vmem>>, vector<16xf32>,
      tpu.vector_store %arg8[%swap3A_77, %swap3A_78], %broadcast_in_dim3A_1 {strides = array<i32>} : memref<96x128xf32, #tpu.memory_space<vmem>>, vector<16xf32>,
    }
    %scan3A_5 = arith.constant 96 : i32
    %mul3A_6 = arith.constant 640 : i32
    %mul3A_7 = arith.muli %arg1, %mul3A_6 : i32
    %add3A_8 = arith.constant 0 : i32
    %add3A_9 = arith.addi %mul3A_7, %add3A_8 : i32
    "tpu.region"() ({
      %run_scoped3A_56 = tpu.sem_alloc : memref<!tpu.dma_semaphore, #tpu.memory_space<semaphore_mem>>
      %dma_start3A_57 = arith.constant 0 : i32
      %dma_start3A_58 = arith.constant 0 : i32
      %dma_start3A_59 = tpu.memref_slice %arg8[%dma_start3A_57, %dma_start3A_58] : memref<96x128xf32, #tpu.memory_space<vmem>> -> memref<80x128xf32, #tpu.memory_space<vmem>>
      %dma_start3A_60 = arith.constant 0 : i32
      %dma_start3A_61 = tpu.memref_slice %arg10[%add3A_9, %dma_start3A_60] : memref<10240x128xf32, #tpu.memory_space<vmem_shared>> -> memref<80x128xf32, #tpu.memory_space<vmem_shared>>
      %dma_start3A_62 = arith.constant 0 : i32
      %dma_start3A_63 = tpu.memref_slice %arg10[%add3A_9, %dma_start3A_62] : memref<10240x128xf32, #tpu.memory_space<vmem_shared>> -> memref<80x128xf32, #tpu.memory_space<vmem_shared>>
      %dma_start3A_64 = arith.constant 0 : i32
      %dma_start3A_65 = arith.constant 0 : i32
      %dma_start3A_66 = tpu.memref_slice %arg8[%dma_start3A_64, %dma_start3A_65] : memref<96x128xf32, #tpu.memory_space<vmem>> -> memref<80x128xf32, #tpu.memory_space<vmem>>
      tpu.enqueue_dma source(%dma_start3A_66 : memref<80x128xf32, #tpu.memory_space<vmem>>) target(%dma_start3A_63 : memref<80x128xf32, #tpu.memory_space<vmem_shared>>) target_semaphore(%run_scoped3A_56 : memref<!tpu.dma_semaphore, #tpu.memory_space<semaphore_mem>>)
      %dma_wait3A_67 = arith.constant 0 : i32
      %dma_wait3A_68 = arith.constant 0 : i32
      %dma_wait3A_69 = tpu.memref_slice %arg8[%dma_wait3A_67, %dma_wait3A_68] : memref<96x128xf32, #tpu.memory_space<vmem>> -> memref<80x128xf32, #tpu.memory_space<vmem>>
      %dma_wait3A_70 = arith.constant 0 : i32
      %dma_wait3A_71 = tpu.memref_slice %arg10[%add3A_9, %dma_wait3A_70] : memref<10240x128xf32, #tpu.memory_space<vmem_shared>> -> memref<80x128xf32, #tpu.memory_space<vmem_shared>>
      %dma_wait3A_72 = arith.constant 0 : i32
      %dma_wait3A_73 = tpu.memref_slice %arg10[%add3A_9, %dma_wait3A_72] : memref<10240x128xf32, #tpu.memory_space<vmem_shared>> -> memref<80x128xf32, #tpu.memory_space<vmem_shared>>
      %dma_wait3A_74 = arith.constant 0 : i32
      %dma_wait3A_75 = arith.constant 0 : i32
      %dma_wait3A_76 = tpu.memref_slice %arg8[%dma_wait3A_74, %dma_wait3A_75] : memref<96x128xf32, #tpu.memory_space<vmem>> -> memref<80x128xf32, #tpu.memory_space<vmem>>
      tpu.wait_dma2 semaphore(%run_scoped3A_56 : memref<!tpu.dma_semaphore, #tpu.memory_space<semaphore_mem>>) src(%dma_wait3A_76 : memref<80x128xf32, #tpu.memory_space<vmem>>) dst(%dma_wait3A_73 : memref<80x128xf32, #tpu.memory_space<vmem_shared>>)
      tpu.yield
    }) : () -> ()
    %mul3A_10 = arith.constant 640 : i32
    %mul3A_11 = arith.muli %arg1, %mul3A_10 : i32
    %add3A_12 = arith.constant 80 : i32
    %add3A_13 = arith.addi %mul3A_11, %add3A_12 : i32
    "tpu.region"() ({
      %run_scoped3A_56 = tpu.sem_alloc : memref<!tpu.dma_semaphore, #tpu.memory_space<semaphore_mem>>
      %dma_start3A_57 = arith.constant 0 : i32
      %dma_start3A_58 = arith.constant 0 : i32
      %dma_start3A_59 = tpu.memref_slice %arg8[%dma_start3A_57, %dma_start3A_58] : memref<96x128xf32, #tpu.memory_space<vmem>> -> memref<80x128xf32, #tpu.memory_space<vmem>>
      %dma_start3A_60 = arith.constant 0 : i32
      %dma_start3A_61 = tpu.memref_slice %arg10[%add3A_13, %dma_start3A_60] : memref<10240x128xf32, #tpu.memory_space<vmem_shared>> -> memref<80x128xf32, #tpu.memory_space<vmem_shared>>
      %dma_start3A_62 = arith.constant 0 : i32
      %dma_start3A_63 = tpu.memref_slice %arg10[%add3A_13, %dma_start3A_62] : memref<10240x128xf32, #tpu.memory_space<vmem_shared>> -> memref<80x128xf32, #tpu.memory_space<vmem_shared>>
      %dma_start3A_64 = arith.constant 0 : i32
      %dma_start3A_65 = arith.constant 0 : i32
      %dma_start3A_66 = tpu.memref_slice %arg8[%dma_start3A_64, %dma_start3A_65] : memref<96x128xf32, #tpu.memory_space<vmem>> -> memref<80x128xf32, #tpu.memory_space<vmem>>
      tpu.enqueue_dma source(%dma_start3A_66 : memref<80x128xf32, #tpu.memory_space<vmem>>) target(%dma_start3A_63 : memref<80x128xf32, #tpu.memory_space<vmem_shared>>) target_semaphore(%run_scoped3A_56 : memref<!tpu.dma_semaphore, #tpu.memory_space<semaphore_mem>>)
      %dma_wait3A_67 = arith.constant 0 : i32
      %dma_wait3A_68 = arith.constant 0 : i32
      %dma_wait3A_69 = tpu.memref_slice %arg8[%dma_wait3A_67, %dma_wait3A_68] : memref<96x128xf32, #tpu.memory_space<vmem>> -> memref<80x128xf32, #tpu.memory_space<vmem>>
      %dma_wait3A_70 = arith.constant 0 : i32
      %dma_wait3A_71 = tpu.memref_slice %arg10[%add3A_13, %dma_wait3A_70] : memref<10240x128xf32, #tpu.memory_space<vmem_shared>> -> memref<80x128xf32, #tpu.memory_space<vmem_shared>>
      %dma_wait3A_72 = arith.constant 0 : i32
      %dma_wait3A_73 = tpu.memref_slice %arg10[%add3A_13, %dma_wait3A_72] : memref<10240x128xf32, #tpu.memory_space<vmem_shared>> -> memref<80x128xf32, #tpu.memory_space<vmem_shared>>
      %dma_wait3A_74 = arith.constant 0 : i32
      %dma_wait3A_75 = arith.constant 0 : i32
      %dma_wait3A_76 = tpu.memref_slice %arg8[%dma_wait3A_74, %dma_wait3A_75] : memref<96x128xf32, #tpu.memory_space<vmem>> -> memref<80x128xf32, #tpu.memory_space<vmem>>
      tpu.wait_dma2 semaphore(%run_scoped3A_56 : memref<!tpu.dma_semaphore, #tpu.memory_space<semaphore_mem>>) src(%dma_wait3A_76 : memref<80x128xf32, #tpu.memory_space<vmem>>) dst(%dma_wait3A_73 : memref<80x128xf32, #tpu.memory_space<vmem_shared>>)
      tpu.yield
    }) : () -> ()
    %mul3A_14 = arith.constant 640 : i32
    %mul3A_15 = arith.muli %arg1, %mul3A_14 : i32
    %add3A_16 = arith.constant 160 : i32
    %add3A_17 = arith.addi %mul3A_15, %add3A_16 : i32
    "tpu.region"() ({
      %run_scoped3A_56 = tpu.sem_alloc : memref<!tpu.dma_semaphore, #tpu.memory_space<semaphore_mem>>
      %dma_start3A_57 = arith.constant 0 : i32
      %dma_start3A_58 = arith.constant 0 : i32
      %dma_start3A_59 = tpu.memref_slice %arg8[%dma_start3A_57, %dma_start3A_58] : memref<96x128xf32, #tpu.memory_space<vmem>> -> memref<80x128xf32, #tpu.memory_space<vmem>>
      %dma_start3A_60 = arith.constant 0 : i32
      %dma_start3A_61 = tpu.memref_slice %arg10[%add3A_17, %dma_start3A_60] : memref<10240x128xf32, #tpu.memory_space<vmem_shared>> -> memref<80x128xf32, #tpu.memory_space<vmem_shared>>
      %dma_start3A_62 = arith.constant 0 : i32
      %dma_start3A_63 = tpu.memref_slice %arg10[%add3A_17, %dma_start3A_62] : memref<10240x128xf32, #tpu.memory_space<vmem_shared>> -> memref<80x128xf32, #tpu.memory_space<vmem_shared>>
      %dma_start3A_64 = arith.constant 0 : i32
      %dma_start3A_65 = arith.constant 0 : i32
      %dma_start3A_66 = tpu.memref_slice %arg8[%dma_start3A_64, %dma_start3A_65] : memref<96x128xf32, #tpu.memory_space<vmem>> -> memref<80x128xf32, #tpu.memory_space<vmem>>
      tpu.enqueue_dma source(%dma_start3A_66 : memref<80x128xf32, #tpu.memory_space<vmem>>) target(%dma_start3A_63 : memref<80x128xf32, #tpu.memory_space<vmem_shared>>) target_semaphore(%run_scoped3A_56 : memref<!tpu.dma_semaphore, #tpu.memory_space<semaphore_mem>>)
      %dma_wait3A_67 = arith.constant 0 : i32
      %dma_wait3A_68 = arith.constant 0 : i32
      %dma_wait3A_69 = tpu.memref_slice %arg8[%dma_wait3A_67, %dma_wait3A_68] : memref<96x128xf32, #tpu.memory_space<vmem>> -> memref<80x128xf32, #tpu.memory_space<vmem>>
      %dma_wait3A_70 = arith.constant 0 : i32
      %dma_wait3A_71 = tpu.memref_slice %arg10[%add3A_17, %dma_wait3A_70] : memref<10240x128xf32, #tpu.memory_space<vmem_shared>> -> memref<80x128xf32, #tpu.memory_space<vmem_shared>>
      %dma_wait3A_72 = arith.constant 0 : i32
      %dma_wait3A_73 = tpu.memref_slice %arg10[%add3A_17, %dma_wait3A_72] : memref<10240x128xf32, #tpu.memory_space<vmem_shared>> -> memref<80x128xf32, #tpu.memory_space<vmem_shared>>
      %dma_wait3A_74 = arith.constant 0 : i32
      %dma_wait3A_75 = arith.constant 0 : i32
      %dma_wait3A_76 = tpu.memref_slice %arg8[%dma_wait3A_74, %dma_wait3A_75] : memref<96x128xf32, #tpu.memory_space<vmem>> -> memref<80x128xf32, #tpu.memory_space<vmem>>
      tpu.wait_dma2 semaphore(%run_scoped3A_56 : memref<!tpu.dma_semaphore, #tpu.memory_space<semaphore_mem>>) src(%dma_wait3A_76 : memref<80x128xf32, #tpu.memory_space<vmem>>) dst(%dma_wait3A_73 : memref<80x128xf32, #tpu.memory_space<vmem_shared>>)
      tpu.yield
    }) : () -> ()
    %mul3A_18 = arith.constant 640 : i32
    %mul3A_19 = arith.muli %arg1, %mul3A_18 : i32
    %add3A_20 = arith.constant 240 : i32
    %add3A_21 = arith.addi %mul3A_19, %add3A_20 : i32
    "tpu.region"() ({
      %run_scoped3A_56 = tpu.sem_alloc : memref<!tpu.dma_semaphore, #tpu.memory_space<semaphore_mem>>
      %dma_start3A_57 = arith.constant 0 : i32
      %dma_start3A_58 = arith.constant 0 : i32
      %dma_start3A_59 = tpu.memref_slice %arg8[%dma_start3A_57, %dma_start3A_58] : memref<96x128xf32, #tpu.memory_space<vmem>> -> memref<80x128xf32, #tpu.memory_space<vmem>>
      %dma_start3A_60 = arith.constant 0 : i32
      %dma_start3A_61 = tpu.memref_slice %arg10[%add3A_21, %dma_start3A_60] : memref<10240x128xf32, #tpu.memory_space<vmem_shared>> -> memref<80x128xf32, #tpu.memory_space<vmem_shared>>
      %dma_start3A_62 = arith.constant 0 : i32
      %dma_start3A_63 = tpu.memref_slice %arg10[%add3A_21, %dma_start3A_62] : memref<10240x128xf32, #tpu.memory_space<vmem_shared>> -> memref<80x128xf32, #tpu.memory_space<vmem_shared>>
      %dma_start3A_64 = arith.constant 0 : i32
      %dma_start3A_65 = arith.constant 0 : i32
      %dma_start3A_66 = tpu.memref_slice %arg8[%dma_start3A_64, %dma_start3A_65] : memref<96x128xf32, #tpu.memory_space<vmem>> -> memref<80x128xf32, #tpu.memory_space<vmem>>
      tpu.enqueue_dma source(%dma_start3A_66 : memref<80x128xf32, #tpu.memory_space<vmem>>) target(%dma_start3A_63 : memref<80x128xf32, #tpu.memory_space<vmem_shared>>) target_semaphore(%run_scoped3A_56 : memref<!tpu.dma_semaphore, #tpu.memory_space<semaphore_mem>>)
      %dma_wait3A_67 = arith.constant 0 : i32
      %dma_wait3A_68 = arith.constant 0 : i32
      %dma_wait3A_69 = tpu.memref_slice %arg8[%dma_wait3A_67, %dma_wait3A_68] : memref<96x128xf32, #tpu.memory_space<vmem>> -> memref<80x128xf32, #tpu.memory_space<vmem>>
      %dma_wait3A_70 = arith.constant 0 : i32
      %dma_wait3A_71 = tpu.memref_slice %arg10[%add3A_21, %dma_wait3A_70] : memref<10240x128xf32, #tpu.memory_space<vmem_shared>> -> memref<80x128xf32, #tpu.memory_space<vmem_shared>>
      %dma_wait3A_72 = arith.constant 0 : i32
      %dma_wait3A_73 = tpu.memref_slice %arg10[%add3A_21, %dma_wait3A_72] : memref<10240x128xf32, #tpu.memory_space<vmem_shared>> -> memref<80x128xf32, #tpu.memory_space<vmem_shared>>
      %dma_wait3A_74 = arith.constant 0 : i32
      %dma_wait3A_75 = arith.constant 0 : i32
      %dma_wait3A_76 = tpu.memref_slice %arg8[%dma_wait3A_74, %dma_wait3A_75] : memref<96x128xf32, #tpu.memory_space<vmem>> -> memref<80x128xf32, #tpu.memory_space<vmem>>
      tpu.wait_dma2 semaphore(%run_scoped3A_56 : memref<!tpu.dma_semaphore, #tpu.memory_space<semaphore_mem>>) src(%dma_wait3A_76 : memref<80x128xf32, #tpu.memory_space<vmem>>) dst(%dma_wait3A_73 : memref<80x128xf32, #tpu.memory_space<vmem_shared>>)
      tpu.yield
    }) : () -> ()
    %mul3A_22 = arith.constant 640 : i32
    %mul3A_23 = arith.muli %arg1, %mul3A_22 : i32
    %add3A_24 = arith.constant 320 : i32
    %add3A_25 = arith.addi %mul3A_23, %add3A_24 : i32
    "tpu.region"() ({
      %run_scoped3A_56 = tpu.sem_alloc : memref<!tpu.dma_semaphore, #tpu.memory_space<semaphore_mem>>
      %dma_start3A_57 = arith.constant 0 : i32
      %dma_start3A_58 = arith.constant 0 : i32
      %dma_start3A_59 = tpu.memref_slice %arg8[%dma_start3A_57, %dma_start3A_58] : memref<96x128xf32, #tpu.memory_space<vmem>> -> memref<80x128xf32, #tpu.memory_space<vmem>>
      %dma_start3A_60 = arith.constant 0 : i32
      %dma_start3A_61 = tpu.memref_slice %arg10[%add3A_25, %dma_start3A_60] : memref<10240x128xf32, #tpu.memory_space<vmem_shared>> -> memref<80x128xf32, #tpu.memory_space<vmem_shared>>
      %dma_start3A_62 = arith.constant 0 : i32
      %dma_start3A_63 = tpu.memref_slice %arg10[%add3A_25, %dma_start3A_62] : memref<10240x128xf32, #tpu.memory_space<vmem_shared>> -> memref<80x128xf32, #tpu.memory_space<vmem_shared>>
      %dma_start3A_64 = arith.constant 0 : i32
      %dma_start3A_65 = arith.constant 0 : i32
      %dma_start3A_66 = tpu.memref_slice %arg8[%dma_start3A_64, %dma_start3A_65] : memref<96x128xf32, #tpu.memory_space<vmem>> -> memref<80x128xf32, #tpu.memory_space<vmem>>
      tpu.enqueue_dma source(%dma_start3A_66 : memref<80x128xf32, #tpu.memory_space<vmem>>) target(%dma_start3A_63 : memref<80x128xf32, #tpu.memory_space<vmem_shared>>) target_semaphore(%run_scoped3A_56 : memref<!tpu.dma_semaphore, #tpu.memory_space<semaphore_mem>>)
      %dma_wait3A_67 = arith.constant 0 : i32
      %dma_wait3A_68 = arith.constant 0 : i32
      %dma_wait3A_69 = tpu.memref_slice %arg8[%dma_wait3A_67, %dma_wait3A_68] : memref<96x128xf32, #tpu.memory_space<vmem>> -> memref<80x128xf32, #tpu.memory_space<vmem>>
      %dma_wait3A_70 = arith.constant 0 : i32
      %dma_wait3A_71 = tpu.memref_slice %arg10[%add3A_25, %dma_wait3A_70] : memref<10240x128xf32, #tpu.memory_space<vmem_shared>> -> memref<80x128xf32, #tpu.memory_space<vmem_shared>>
      %dma_wait3A_72 = arith.constant 0 : i32
      %dma_wait3A_73 = tpu.memref_slice %arg10[%add3A_25, %dma_wait3A_72] : memref<10240x128xf32, #tpu.memory_space<vmem_shared>> -> memref<80x128xf32, #tpu.memory_space<vmem_shared>>
      %dma_wait3A_74 = arith.constant 0 : i32
      %dma_wait3A_75 = arith.constant 0 : i32
      %dma_wait3A_76 = tpu.memref_slice %arg8[%dma_wait3A_74, %dma_wait3A_75] : memref<96x128xf32, #tpu.memory_space<vmem>> -> memref<80x128xf32, #tpu.memory_space<vmem>>
      tpu.wait_dma2 semaphore(%run_scoped3A_56 : memref<!tpu.dma_semaphore, #tpu.memory_space<semaphore_mem>>) src(%dma_wait3A_76 : memref<80x128xf32, #tpu.memory_space<vmem>>) dst(%dma_wait3A_73 : memref<80x128xf32, #tpu.memory_space<vmem_shared>>)
      tpu.yield
    }) : () -> ()
    %mul3A_26 = arith.constant 640 : i32
    %mul3A_27 = arith.muli %arg1, %mul3A_26 : i32
    %add3A_28 = arith.constant 400 : i32
    %add3A_29 = arith.addi %mul3A_27, %add3A_28 : i32
    "tpu.region"() ({
      %run_scoped3A_56 = tpu.sem_alloc : memref<!tpu.dma_semaphore, #tpu.memory_space<semaphore_mem>>
      %dma_start3A_57 = arith.constant 0 : i32
      %dma_start3A_58 = arith.constant 0 : i32
      %dma_start3A_59 = tpu.memref_slice %arg8[%dma_start3A_57, %dma_start3A_58] : memref<96x128xf32, #tpu.memory_space<vmem>> -> memref<80x128xf32, #tpu.memory_space<vmem>>
      %dma_start3A_60 = arith.constant 0 : i32
      %dma_start3A_61 = tpu.memref_slice %arg10[%add3A_29, %dma_start3A_60] : memref<10240x128xf32, #tpu.memory_space<vmem_shared>> -> memref<80x128xf32, #tpu.memory_space<vmem_shared>>
      %dma_start3A_62 = arith.constant 0 : i32
      %dma_start3A_63 = tpu.memref_slice %arg10[%add3A_29, %dma_start3A_62] : memref<10240x128xf32, #tpu.memory_space<vmem_shared>> -> memref<80x128xf32, #tpu.memory_space<vmem_shared>>
      %dma_start3A_64 = arith.constant 0 : i32
      %dma_start3A_65 = arith.constant 0 : i32
      %dma_start3A_66 = tpu.memref_slice %arg8[%dma_start3A_64, %dma_start3A_65] : memref<96x128xf32, #tpu.memory_space<vmem>> -> memref<80x128xf32, #tpu.memory_space<vmem>>
      tpu.enqueue_dma source(%dma_start3A_66 : memref<80x128xf32, #tpu.memory_space<vmem>>) target(%dma_start3A_63 : memref<80x128xf32, #tpu.memory_space<vmem_shared>>) target_semaphore(%run_scoped3A_56 : memref<!tpu.dma_semaphore, #tpu.memory_space<semaphore_mem>>)
      %dma_wait3A_67 = arith.constant 0 : i32
      %dma_wait3A_68 = arith.constant 0 : i32
      %dma_wait3A_69 = tpu.memref_slice %arg8[%dma_wait3A_67, %dma_wait3A_68] : memref<96x128xf32, #tpu.memory_space<vmem>> -> memref<80x128xf32, #tpu.memory_space<vmem>>
      %dma_wait3A_70 = arith.constant 0 : i32
      %dma_wait3A_71 = tpu.memref_slice %arg10[%add3A_29, %dma_wait3A_70] : memref<10240x128xf32, #tpu.memory_space<vmem_shared>> -> memref<80x128xf32, #tpu.memory_space<vmem_shared>>
      %dma_wait3A_72 = arith.constant 0 : i32
      %dma_wait3A_73 = tpu.memref_slice %arg10[%add3A_29, %dma_wait3A_72] : memref<10240x128xf32, #tpu.memory_space<vmem_shared>> -> memref<80x128xf32, #tpu.memory_space<vmem_shared>>
      %dma_wait3A_74 = arith.constant 0 : i32
      %dma_wait3A_75 = arith.constant 0 : i32
      %dma_wait3A_76 = tpu.memref_slice %arg8[%dma_wait3A_74, %dma_wait3A_75] : memref<96x128xf32, #tpu.memory_space<vmem>> -> memref<80x128xf32, #tpu.memory_space<vmem>>
      tpu.wait_dma2 semaphore(%run_scoped3A_56 : memref<!tpu.dma_semaphore, #tpu.memory_space<semaphore_mem>>) src(%dma_wait3A_76 : memref<80x128xf32, #tpu.memory_space<vmem>>) dst(%dma_wait3A_73 : memref<80x128xf32, #tpu.memory_space<vmem_shared>>)
      tpu.yield
    }) : () -> ()
    %mul3A_30 = arith.constant 640 : i32
    %mul3A_31 = arith.muli %arg1, %mul3A_30 : i32
    %add3A_32 = arith.constant 480 : i32
    %add3A_33 = arith.addi %mul3A_31, %add3A_32 : i32
    "tpu.region"() ({
      %run_scoped3A_56 = tpu.sem_alloc : memref<!tpu.dma_semaphore, #tpu.memory_space<semaphore_mem>>
      %dma_start3A_57 = arith.constant 0 : i32
      %dma_start3A_58 = arith.constant 0 : i32
      %dma_start3A_59 = tpu.memref_slice %arg8[%dma_start3A_57, %dma_start3A_58] : memref<96x128xf32, #tpu.memory_space<vmem>> -> memref<80x128xf32, #tpu.memory_space<vmem>>
      %dma_start3A_60 = arith.constant 0 : i32
      %dma_start3A_61 = tpu.memref_slice %arg10[%add3A_33, %dma_start3A_60] : memref<10240x128xf32, #tpu.memory_space<vmem_shared>> -> memref<80x128xf32, #tpu.memory_space<vmem_shared>>
      %dma_start3A_62 = arith.constant 0 : i32
      %dma_start3A_63 = tpu.memref_slice %arg10[%add3A_33, %dma_start3A_62] : memref<10240x128xf32, #tpu.memory_space<vmem_shared>> -> memref<80x128xf32, #tpu.memory_space<vmem_shared>>
      %dma_start3A_64 = arith.constant 0 : i32
      %dma_start3A_65 = arith.constant 0 : i32
      %dma_start3A_66 = tpu.memref_slice %arg8[%dma_start3A_64, %dma_start3A_65] : memref<96x128xf32, #tpu.memory_space<vmem>> -> memref<80x128xf32, #tpu.memory_space<vmem>>
      tpu.enqueue_dma source(%dma_start3A_66 : memref<80x128xf32, #tpu.memory_space<vmem>>) target(%dma_start3A_63 : memref<80x128xf32, #tpu.memory_space<vmem_shared>>) target_semaphore(%run_scoped3A_56 : memref<!tpu.dma_semaphore, #tpu.memory_space<semaphore_mem>>)
      %dma_wait3A_67 = arith.constant 0 : i32
      %dma_wait3A_68 = arith.constant 0 : i32
      %dma_wait3A_69 = tpu.memref_slice %arg8[%dma_wait3A_67, %dma_wait3A_68] : memref<96x128xf32, #tpu.memory_space<vmem>> -> memref<80x128xf32, #tpu.memory_space<vmem>>
      %dma_wait3A_70 = arith.constant 0 : i32
      %dma_wait3A_71 = tpu.memref_slice %arg10[%add3A_33, %dma_wait3A_70] : memref<10240x128xf32, #tpu.memory_space<vmem_shared>> -> memref<80x128xf32, #tpu.memory_space<vmem_shared>>
      %dma_wait3A_72 = arith.constant 0 : i32
      %dma_wait3A_73 = tpu.memref_slice %arg10[%add3A_33, %dma_wait3A_72] : memref<10240x128xf32, #tpu.memory_space<vmem_shared>> -> memref<80x128xf32, #tpu.memory_space<vmem_shared>>
      %dma_wait3A_74 = arith.constant 0 : i32
      %dma_wait3A_75 = arith.constant 0 : i32
      %dma_wait3A_76 = tpu.memref_slice %arg8[%dma_wait3A_74, %dma_wait3A_75] : memref<96x128xf32, #tpu.memory_space<vmem>> -> memref<80x128xf32, #tpu.memory_space<vmem>>
      tpu.wait_dma2 semaphore(%run_scoped3A_56 : memref<!tpu.dma_semaphore, #tpu.memory_space<semaphore_mem>>) src(%dma_wait3A_76 : memref<80x128xf32, #tpu.memory_space<vmem>>) dst(%dma_wait3A_73 : memref<80x128xf32, #tpu.memory_space<vmem_shared>>)
      tpu.yield
    }) : () -> ()
    %mul3A_34 = arith.constant 640 : i32
    %mul3A_35 = arith.muli %arg1, %mul3A_34 : i32
    %add3A_36 = arith.constant 560 : i32
    %add3A_37 = arith.addi %mul3A_35, %add3A_36 : i32
    "tpu.region"() ({
      %run_scoped3A_56 = tpu.sem_alloc : memref<!tpu.dma_semaphore, #tpu.memory_space<semaphore_mem>>
      %dma_start3A_57 = arith.constant 0 : i32
      %dma_start3A_58 = arith.constant 0 : i32
      %dma_start3A_59 = tpu.memref_slice %arg8[%dma_start3A_57, %dma_start3A_58] : memref<96x128xf32, #tpu.memory_space<vmem>> -> memref<80x128xf32, #tpu.memory_space<vmem>>
      %dma_start3A_60 = arith.constant 0 : i32
      %dma_start3A_61 = tpu.memref_slice %arg10[%add3A_37, %dma_start3A_60] : memref<10240x128xf32, #tpu.memory_space<vmem_shared>> -> memref<80x128xf32, #tpu.memory_space<vmem_shared>>
      %dma_start3A_62 = arith.constant 0 : i32
      %dma_start3A_63 = tpu.memref_slice %arg10[%add3A_37, %dma_start3A_62] : memref<10240x128xf32, #tpu.memory_space<vmem_shared>> -> memref<80x128xf32, #tpu.memory_space<vmem_shared>>
      %dma_start3A_64 = arith.constant 0 : i32
      %dma_start3A_65 = arith.constant 0 : i32
      %dma_start3A_66 = tpu.memref_slice %arg8[%dma_start3A_64, %dma_start3A_65] : memref<96x128xf32, #tpu.memory_space<vmem>> -> memref<80x128xf32, #tpu.memory_space<vmem>>
      tpu.enqueue_dma source(%dma_start3A_66 : memref<80x128xf32, #tpu.memory_space<vmem>>) target(%dma_start3A_63 : memref<80x128xf32, #tpu.memory_space<vmem_shared>>) target_semaphore(%run_scoped3A_56 : memref<!tpu.dma_semaphore, #tpu.memory_space<semaphore_mem>>)
      %dma_wait3A_67 = arith.constant 0 : i32
      %dma_wait3A_68 = arith.constant 0 : i32
      %dma_wait3A_69 = tpu.memref_slice %arg8[%dma_wait3A_67, %dma_wait3A_68] : memref<96x128xf32, #tpu.memory_space<vmem>> -> memref<80x128xf32, #tpu.memory_space<vmem>>
      %dma_wait3A_70 = arith.constant 0 : i32
      %dma_wait3A_71 = tpu.memref_slice %arg10[%add3A_37, %dma_wait3A_70] : memref<10240x128xf32, #tpu.memory_space<vmem_shared>> -> memref<80x128xf32, #tpu.memory_space<vmem_shared>>
      %dma_wait3A_72 = arith.constant 0 : i32
      %dma_wait3A_73 = tpu.memref_slice %arg10[%add3A_37, %dma_wait3A_72] : memref<10240x128xf32, #tpu.memory_space<vmem_shared>> -> memref<80x128xf32, #tpu.memory_space<vmem_shared>>
      %dma_wait3A_74 = arith.constant 0 : i32
      %dma_wait3A_75 = arith.constant 0 : i32
      %dma_wait3A_76 = tpu.memref_slice %arg8[%dma_wait3A_74, %dma_wait3A_75] : memref<96x128xf32, #tpu.memory_space<vmem>> -> memref<80x128xf32, #tpu.memory_space<vmem>>
      tpu.wait_dma2 semaphore(%run_scoped3A_56 : memref<!tpu.dma_semaphore, #tpu.memory_space<semaphore_mem>>) src(%dma_wait3A_76 : memref<80x128xf32, #tpu.memory_space<vmem>>) dst(%dma_wait3A_73 : memref<80x128xf32, #tpu.memory_space<vmem_shared>>)
      tpu.yield
    }) : () -> ()
    %barrier3A = arith.constant 0 : index
    tpu.barrier barrier_id(%barrier3A)
    %dma_start3A = arith.constant 0 : i32
    %dma_start3A_38 = tpu.memref_slice %arg6[%dma_start3A] : memref<10080xi32, #tpu.memory_space<vmem>> -> memref<96xi32, #tpu.memory_space<vmem>>
    %dma_start3A_39 = arith.constant 0 : i32
    %dma_start3A_40 = arith.constant 0 : i32
    %dma_start3A_41 = tpu.memref_slice %arg4[%dma_start3A_39, %dma_start3A_40] : memref<10000x128xf32, #tpu.memory_space<hbm>> -> memref<10000x128xf32, #tpu.memory_space<hbm>>
    tpu.enqueue_indirect_dma source(%dma_start3A_41 : memref<10000x128xf32, #tpu.memory_space<hbm>>) target(%arg8 : memref<96x128xf32, #tpu.memory_space<vmem>>) offsets(%dma_start3A_38 : memref<96xi32, #tpu.memory_space<vmem>>) semaphore(%arg11 : memref<!tpu.dma_semaphore, #tpu.memory_space<semaphore_mem>>)
    %scan3A_42 = arith.constant 0 : i32
    %scan3A_43 = arith.constant 52 : i32
    %scan3A_44 = arith.addi %scan3A_42, %scan3A_43 : i32
    %scan3A_45 = arith.constant 1 : i32
    scf.for %scan3A_56 = %scan3A_42 to %scan3A_44 step %scan3A_45  : i32 {
      %mul3A_57 = arith.constant 2 : i32
      %mul3A_58 = arith.muli %mul3A_57, %scan3A_56 : i32
      %add3A_59 = arith.constant 1 : i32
      %add3A_60 = arith.addi %mul3A_58, %add3A_59 : i32
      %mul3A_61 = arith.constant 96 : i32
      %mul3A_62 = arith.muli %add3A_60, %mul3A_61 : i32
      %dma_start3A_63 = tpu.memref_slice %arg6[%mul3A_62] : memref<10080xi32, #tpu.memory_space<vmem>> -> memref<96xi32, #tpu.memory_space<vmem>>
      %dma_start3A_64 = arith.constant 0 : i32
      %dma_start3A_65 = arith.constant 0 : i32
      %dma_start3A_66 = tpu.memref_slice %arg4[%dma_start3A_64, %dma_start3A_65] : memref<10000x128xf32, #tpu.memory_space<hbm>> -> memref<10000x128xf32, #tpu.memory_space<hbm>>
      tpu.enqueue_indirect_dma source(%dma_start3A_66 : memref<10000x128xf32, #tpu.memory_space<hbm>>) target(%arg9 : memref<96x128xf32, #tpu.memory_space<vmem>>) offsets(%dma_start3A_63 : memref<96xi32, #tpu.memory_space<vmem>>) semaphore(%arg12 : memref<!tpu.dma_semaphore, #tpu.memory_space<semaphore_mem>>)
      %mul3A_67 = arith.constant 96 : i32
      %mul3A_68 = arith.muli %mul3A_58, %mul3A_67 : i32
      %dma_wait3A_69 = tpu.memref_slice %arg6[%mul3A_68] : memref<10080xi32, #tpu.memory_space<vmem>> -> memref<96xi32, #tpu.memory_space<vmem>>
      %dma_wait3A_70 = arith.constant 0 : i32
      %dma_wait3A_71 = arith.constant 0 : i32
      %dma_wait3A_72 = tpu.memref_slice %arg4[%dma_wait3A_70, %dma_wait3A_71] : memref<10000x128xf32, #tpu.memory_space<hbm>> -> memref<10000x128xf32, #tpu.memory_space<hbm>>
      tpu.wait_indirect_dma semaphore(%arg11 : memref<!tpu.dma_semaphore, #tpu.memory_space<semaphore_mem>>) src(%dma_wait3A_72 : memref<10000x128xf32, #tpu.memory_space<hbm>>) dst(%arg8 : memref<96x128xf32, #tpu.memory_space<vmem>>)
      "tpu.region"() ({
        %run_scoped3A_87 = tpu.sem_alloc : memref<!tpu.dma_semaphore, #tpu.memory_space<semaphore_mem>>
        %dma_start3A_88 = arith.constant 0 : i32
        %dma_start3A_89 = tpu.memref_slice %arg7[%mul3A_58, %dma_start3A_88] : memref<105x96xi32, #tpu.memory_space<vmem>> -> memref<1x96xi32, #tpu.memory_space<vmem>>
        %dma_start3A_90 = tpu.memref_squeeze %dma_start3A_89 : memref<1x96xi32, #tpu.memory_space<vmem>> -> memref<96xi32, #tpu.memory_space<vmem>>
        %dma_start3A_91 = arith.constant 0 : i32
        %dma_start3A_92 = arith.constant 0 : i32
        %dma_start3A_93 = tpu.memref_slice %arg10[%dma_start3A_91, %dma_start3A_92] : memref<10240x128xf32, #tpu.memory_space<vmem_shared>> -> memref<10240x128xf32, #tpu.memory_space<vmem_shared>>
        tpu.enqueue_indirect_dma source(%arg8 : memref<96x128xf32, #tpu.memory_space<vmem>>) target(%dma_start3A_93 : memref<10240x128xf32, #tpu.memory_space<vmem_shared>>) offsets(%dma_start3A_90 : memref<96xi32, #tpu.memory_space<vmem>>) semaphore(%run_scoped3A_87 : memref<!tpu.dma_semaphore, #tpu.memory_space<semaphore_mem>>) {add = true}
        %dma_wait3A_94 = arith.constant 0 : i32
        %dma_wait3A_95 = tpu.memref_slice %arg7[%mul3A_58, %dma_wait3A_94] : memref<105x96xi32, #tpu.memory_space<vmem>> -> memref<1x96xi32, #tpu.memory_space<vmem>>
        %dma_wait3A_96 = tpu.memref_squeeze %dma_wait3A_95 : memref<1x96xi32, #tpu.memory_space<vmem>> -> memref<96xi32, #tpu.memory_space<vmem>>
        %dma_wait3A_97 = arith.constant 0 : i32
        %dma_wait3A_98 = arith.constant 0 : i32
        %dma_wait3A_99 = tpu.memref_slice %arg10[%dma_wait3A_97, %dma_wait3A_98] : memref<10240x128xf32, #tpu.memory_space<vmem_shared>> -> memref<10240x128xf32, #tpu.memory_space<vmem_shared>>
        tpu.wait_indirect_dma semaphore(%run_scoped3A_87 : memref<!tpu.dma_semaphore, #tpu.memory_space<semaphore_mem>>) src(%arg8 : memref<96x128xf32, #tpu.memory_space<vmem>>) dst(%dma_wait3A_99 : memref<10240x128xf32, #tpu.memory_space<vmem_shared>>)
        tpu.yield
      }) : () -> ()
      %add3A_73 = arith.constant 2 : i32
      %add3A_74 = arith.addi %mul3A_58, %add3A_73 : i32
      %mul3A_75 = arith.constant 96 : i32
      %mul3A_76 = arith.muli %add3A_74, %mul3A_75 : i32
      %dma_start3A_77 = tpu.memref_slice %arg6[%mul3A_76] : memref<10080xi32, #tpu.memory_space<vmem>> -> memref<96xi32, #tpu.memory_space<vmem>>
      %dma_start3A_78 = arith.constant 0 : i32
      %dma_start3A_79 = arith.constant 0 : i32
      %dma_start3A_80 = tpu.memref_slice %arg4[%dma_start3A_78, %dma_start3A_79] : memref<10000x128xf32, #tpu.memory_space<hbm>> -> memref<10000x128xf32, #tpu.memory_space<hbm>>
      tpu.enqueue_indirect_dma source(%dma_start3A_80 : memref<10000x128xf32, #tpu.memory_space<hbm>>) target(%arg8 : memref<96x128xf32, #tpu.memory_space<vmem>>) offsets(%dma_start3A_77 : memref<96xi32, #tpu.memory_space<vmem>>) semaphore(%arg11 : memref<!tpu.dma_semaphore, #tpu.memory_space<semaphore_mem>>)
      %mul3A_81 = arith.constant 96 : i32
      %mul3A_82 = arith.muli %add3A_60, %mul3A_81 : i32
      %dma_wait3A_83 = tpu.memref_slice %arg6[%mul3A_82] : memref<10080xi32, #tpu.memory_space<vmem>> -> memref<96xi32, #tpu.memory_space<vmem>>
      %dma_wait3A_84 = arith.constant 0 : i32
      %dma_wait3A_85 = arith.constant 0 : i32
      %dma_wait3A_86 = tpu.memref_slice %arg4[%dma_wait3A_84, %dma_wait3A_85] : memref<10000x128xf32, #tpu.memory_space<hbm>> -> memref<10000x128xf32, #tpu.memory_space<hbm>>
      tpu.wait_indirect_dma semaphore(%arg12 : memref<!tpu.dma_semaphore, #tpu.memory_space<semaphore_mem>>) src(%dma_wait3A_86 : memref<10000x128xf32, #tpu.memory_space<hbm>>) dst(%arg9 : memref<96x128xf32, #tpu.memory_space<vmem>>)
      "tpu.region"() ({
        %run_scoped3A_87 = tpu.sem_alloc : memref<!tpu.dma_semaphore, #tpu.memory_space<semaphore_mem>>
        %dma_start3A_88 = arith.constant 0 : i32
        %dma_start3A_89 = tpu.memref_slice %arg7[%add3A_60, %dma_start3A_88] : memref<105x96xi32, #tpu.memory_space<vmem>> -> memref<1x96xi32, #tpu.memory_space<vmem>>
        %dma_start3A_90 = tpu.memref_squeeze %dma_start3A_89 : memref<1x96xi32, #tpu.memory_space<vmem>> -> memref<96xi32, #tpu.memory_space<vmem>>
        %dma_start3A_91 = arith.constant 0 : i32
        %dma_start3A_92 = arith.constant 0 : i32
        %dma_start3A_93 = tpu.memref_slice %arg10[%dma_start3A_91, %dma_start3A_92] : memref<10240x128xf32, #tpu.memory_space<vmem_shared>> -> memref<10240x128xf32, #tpu.memory_space<vmem_shared>>
        tpu.enqueue_indirect_dma source(%arg9 : memref<96x128xf32, #tpu.memory_space<vmem>>) target(%dma_start3A_93 : memref<10240x128xf32, #tpu.memory_space<vmem_shared>>) offsets(%dma_start3A_90 : memref<96xi32, #tpu.memory_space<vmem>>) semaphore(%run_scoped3A_87 : memref<!tpu.dma_semaphore, #tpu.memory_space<semaphore_mem>>) {add = true}
        %dma_wait3A_94 = arith.constant 0 : i32
        %dma_wait3A_95 = tpu.memref_slice %arg7[%add3A_60, %dma_wait3A_94] : memref<105x96xi32, #tpu.memory_space<vmem>> -> memref<1x96xi32, #tpu.memory_space<vmem>>
        %dma_wait3A_96 = tpu.memref_squeeze %dma_wait3A_95 : memref<1x96xi32, #tpu.memory_space<vmem>> -> memref<96xi32, #tpu.memory_space<vmem>>
        %dma_wait3A_97 = arith.constant 0 : i32
        %dma_wait3A_98 = arith.constant 0 : i32
        %dma_wait3A_99 = tpu.memref_slice %arg10[%dma_wait3A_97, %dma_wait3A_98] : memref<10240x128xf32, #tpu.memory_space<vmem_shared>> -> memref<10240x128xf32, #tpu.memory_space<vmem_shared>>
        tpu.wait_indirect_dma semaphore(%run_scoped3A_87 : memref<!tpu.dma_semaphore, #tpu.memory_space<semaphore_mem>>) src(%arg9 : memref<96x128xf32, #tpu.memory_space<vmem>>) dst(%dma_wait3A_99 : memref<10240x128xf32, #tpu.memory_space<vmem_shared>>)
        tpu.yield
      }) : () -> ()
    }
    %scan3A_46 = arith.constant 52 : i32
    %dma_wait3A = arith.constant 9984 : i32
    %dma_wait3A_47 = tpu.memref_slice %arg6[%dma_wait3A] : memref<10080xi32, #tpu.memory_space<vmem>> -> memref<96xi32, #tpu.memory_space<vmem>>
    %dma_wait3A_48 = arith.constant 0 : i32
    %dma_wait3A_49 = arith.constant 0 : i32
    %dma_wait3A_50 = tpu.memref_slice %arg4[%dma_wait3A_48, %dma_wait3A_49] : memref<10000x128xf32, #tpu.memory_space<hbm>> -> memref<10000x128xf32, #tpu.memory_space<hbm>>
    tpu.wait_indirect_dma semaphore(%arg11 : memref<!tpu.dma_semaphore, #tpu.memory_space<semaphore_mem>>) src(%dma_wait3A_50 : memref<10000x128xf32, #tpu.memory_space<hbm>>) dst(%arg8 : memref<96x128xf32, #tpu.memory_space<vmem>>)
    %run_scoped3A = arith.constant 104 : i32
    "tpu.region"() ({
      %run_scoped3A_56 = tpu.sem_alloc : memref<!tpu.dma_semaphore, #tpu.memory_space<semaphore_mem>>
      %dma_start3A_57 = arith.constant 0 : i32
      %dma_start3A_58 = tpu.memref_slice %arg7[%run_scoped3A, %dma_start3A_57] : memref<105x96xi32, #tpu.memory_space<vmem>> -> memref<1x96xi32, #tpu.memory_space<vmem>>
      %dma_start3A_59 = tpu.memref_squeeze %dma_start3A_58 : memref<1x96xi32, #tpu.memory_space<vmem>> -> memref<96xi32, #tpu.memory_space<vmem>>
      %dma_start3A_60 = arith.constant 0 : i32
      %dma_start3A_61 = arith.constant 0 : i32
      %dma_start3A_62 = tpu.memref_slice %arg10[%dma_start3A_60, %dma_start3A_61] : memref<10240x128xf32, #tpu.memory_space<vmem_shared>> -> memref<10240x128xf32, #tpu.memory_space<vmem_shared>>
      tpu.enqueue_indirect_dma source(%arg8 : memref<96x128xf32, #tpu.memory_space<vmem>>) target(%dma_start3A_62 : memref<10240x128xf32, #tpu.memory_space<vmem_shared>>) offsets(%dma_start3A_59 : memref<96xi32, #tpu.memory_space<vmem>>) semaphore(%run_scoped3A_56 : memref<!tpu.dma_semaphore, #tpu.memory_space<semaphore_mem>>) {add = true}
      %dma_wait3A_63 = arith.constant 0 : i32
      %dma_wait3A_64 = tpu.memref_slice %arg7[%run_scoped3A, %dma_wait3A_63] : memref<105x96xi32, #tpu.memory_space<vmem>> -> memref<1x96xi32, #tpu.memory_space<vmem>>
      %dma_wait3A_65 = tpu.memref_squeeze %dma_wait3A_64 : memref<1x96xi32, #tpu.memory_space<vmem>> -> memref<96xi32, #tpu.memory_space<vmem>>
      %dma_wait3A_66 = arith.constant 0 : i32
      %dma_wait3A_67 = arith.constant 0 : i32
      %dma_wait3A_68 = tpu.memref_slice %arg10[%dma_wait3A_66, %dma_wait3A_67] : memref<10240x128xf32, #tpu.memory_space<vmem_shared>> -> memref<10240x128xf32, #tpu.memory_space<vmem_shared>>
      tpu.wait_indirect_dma semaphore(%run_scoped3A_56 : memref<!tpu.dma_semaphore, #tpu.memory_space<semaphore_mem>>) src(%arg8 : memref<96x128xf32, #tpu.memory_space<vmem>>) dst(%dma_wait3A_68 : memref<10240x128xf32, #tpu.memory_space<vmem_shared>>)
      tpu.yield
    }) : () -> ()
    %barrier3A_51 = arith.constant 0 : index
    tpu.barrier barrier_id(%barrier3A_51)
    %mul3A_52 = arith.constant 640 : i32
    %mul3A_53 = arith.muli %arg1, %mul3A_52 : i32
    %mul3A_54 = arith.constant 640 : i32
    %mul3A_55 = arith.muli %arg1, %mul3A_54 : i32
    "tpu.region"() ({
      %run_scoped3A_56 = tpu.sem_alloc : memref<!tpu.dma_semaphore, #tpu.memory_space<semaphore_mem>>
      %dma_start3A_57 = arith.constant 0 : i32
      %dma_start3A_58 = tpu.memref_slice %arg5[%arg0, %mul3A_55, %dma_start3A_57] : memref<2x10240x128xf32, #tpu.memory_space<hbm>> -> memref<1x640x128xf32, #tpu.memory_space<hbm>>
      %dma_start3A_59 = tpu.memref_squeeze %dma_start3A_58 : memref<1x640x128xf32, #tpu.memory_space<hbm>> -> memref<640x128xf32, #tpu.memory_space<hbm>>
      %dma_start3A_60 = arith.constant 0 : i32
      %dma_start3A_61 = tpu.memref_slice %arg10[%mul3A_53, %dma_start3A_60] : memref<10240x128xf32, #tpu.memory_space<vmem_shared>> -> memref<640x128xf32, #tpu.memory_space<vmem_shared>>
      tpu.enqueue_dma source(%dma_start3A_61 : memref<640x128xf32, #tpu.memory_space<vmem_shared>>) target(%dma_start3A_59 : memref<640x128xf32, #tpu.memory_space<hbm>>) target_semaphore(%run_scoped3A_56 : memref<!tpu.dma_semaphore, #tpu.memory_space<semaphore_mem>>)
      %dma_wait3A_62 = arith.constant 0 : i32
      %dma_wait3A_63 = tpu.memref_slice %arg5[%arg0, %mul3A_55, %dma_wait3A_62] : memref<2x10240x128xf32, #tpu.memory_space<hbm>> -> memref<1x640x128xf32, #tpu.memory_space<hbm>>
      %dma_wait3A_64 = tpu.memref_squeeze %dma_wait3A_63 : memref<1x640x128xf32, #tpu.memory_space<hbm>> -> memref<640x128xf32, #tpu.memory_space<hbm>>
      %dma_wait3A_65 = arith.constant 0 : i32
      %dma_wait3A_66 = tpu.memref_slice %arg10[%mul3A_53, %dma_wait3A_65] : memref<10240x128xf32, #tpu.memory_space<vmem_shared>> -> memref<640x128xf32, #tpu.memory_space<vmem_shared>>
      tpu.wait_dma2 semaphore(%run_scoped3A_56 : memref<!tpu.dma_semaphore, #tpu.memory_space<semaphore_mem>>) src(%dma_wait3A_66 : memref<640x128xf32, #tpu.memory_space<vmem_shared>>) dst(%dma_wait3A_64 : memref<640x128xf32, #tpu.memory_space<hbm>>)
      tpu.yield
    }) : () -> ()
    return
  }
}

#map = affine_map<(d0, d1) -> (0)>
module attributes {stable_mosaic.version = 14 : i64} {
  func.func @_deg_sc(%arg0: i32, %arg1: i32, %arg2: memref<321536xi32, #tpu.memory_space<hbm>>, %arg3: memref<327680xf32, #tpu.memory_space<hbm>>, %arg4: memref<10240xf32, #tpu.memory_space<vmem>>, %arg5: memref<10048xi32, #tpu.memory_space<vmem>>) attributes {dimension_semantics = [#tpu.dimension_semantics<core_parallel>, #tpu.dimension_semantics<subcore_parallel>], iteration_bounds = array<i64: 2, 16>, scalar_prefetch = 0 : i64, scratch_operands = 2 : i64, tpu.core_type = #tpu.core_type<sc_vector_subcore>, window_params = [{transform_indices = #map}, {transform_indices = #map}]} {
    %mul3A = arith.constant 16 : i32
    %mul3A_0 = arith.muli %arg0, %mul3A : i32
    %add3A = arith.addi %mul3A_0, %arg1 : i32
    %broadcast_in_dim3A = arith.constant 0.000000e+00 : f32
    %broadcast_in_dim3A_1 = vector.broadcast %broadcast_in_dim3A : f32 to vector<16xf32>
    %broadcast_in_dim3A_2 = arith.constant 1.000000e+00 : f32
    %broadcast_in_dim3A_3 = vector.broadcast %broadcast_in_dim3A_2 : f32 to vector<16xf32>
    %scan3A = arith.constant 0 : i32
    %scan3A_4 = arith.constant 640 : i32
    %scan3A_5 = arith.addi %scan3A, %scan3A_4 : i32
    %scan3A_6 = arith.constant 1 : i32
    scf.for %scan3A_17 = %scan3A to %scan3A_5 step %scan3A_6  : i32 {
      %mul3A_18 = arith.constant 16 : i32
      %mul3A_19 = arith.muli %scan3A_17, %mul3A_18 : i32
      %swap3A = arith.index_cast %mul3A_19 : i32 to index
      %swap3A_20 = tpu.vector_load %arg4[%swap3A] {strides = array<i32>} : memref<10240xf32, #tpu.memory_space<vmem>>, vector<16xf32>,
      tpu.vector_store %arg4[%swap3A], %broadcast_in_dim3A_1 {strides = array<i32>} : memref<10240xf32, #tpu.memory_space<vmem>>, vector<16xf32>,
    }
    %scan3A_7 = arith.constant 640 : i32
    %mul3A_8 = arith.constant 10048 : i32
    %mul3A_9 = arith.muli %add3A, %mul3A_8 : i32
    "tpu.region"() ({
      %run_scoped3A = tpu.sem_alloc : memref<!tpu.dma_semaphore, #tpu.memory_space<semaphore_mem>>
      %dma_start3A = tpu.memref_slice %arg2[%mul3A_9] : memref<321536xi32, #tpu.memory_space<hbm>> -> memref<10048xi32, #tpu.memory_space<hbm>>
      %dma_start3A_17 = tpu.memref_slice %arg2[%mul3A_9] : memref<321536xi32, #tpu.memory_space<hbm>> -> memref<10048xi32, #tpu.memory_space<hbm>>
      tpu.enqueue_dma source(%dma_start3A_17 : memref<10048xi32, #tpu.memory_space<hbm>>) target(%arg5 : memref<10048xi32, #tpu.memory_space<vmem>>) target_semaphore(%run_scoped3A : memref<!tpu.dma_semaphore, #tpu.memory_space<semaphore_mem>>)
      %dma_wait3A = tpu.memref_slice %arg2[%mul3A_9] : memref<321536xi32, #tpu.memory_space<hbm>> -> memref<10048xi32, #tpu.memory_space<hbm>>
      %dma_wait3A_18 = tpu.memref_slice %arg2[%mul3A_9] : memref<321536xi32, #tpu.memory_space<hbm>> -> memref<10048xi32, #tpu.memory_space<hbm>>
      tpu.wait_dma2 semaphore(%run_scoped3A : memref<!tpu.dma_semaphore, #tpu.memory_space<semaphore_mem>>) src(%dma_wait3A_18 : memref<10048xi32, #tpu.memory_space<hbm>>) dst(%arg5 : memref<10048xi32, #tpu.memory_space<vmem>>)
      tpu.yield
    }) : () -> ()
    %scan3A_10 = arith.constant 0 : i32
    %scan3A_11 = arith.constant 628 : i32
    %scan3A_12 = arith.addi %scan3A_10, %scan3A_11 : i32
    %scan3A_13 = arith.constant 1 : i32
    scf.for %scan3A_17 = %scan3A_10 to %scan3A_12 step %scan3A_13  : i32 {
      %mul3A_18 = arith.constant 16 : i32
      %mul3A_19 = arith.muli %scan3A_17, %mul3A_18 : i32
      %get3A = arith.index_cast %mul3A_19 : i32 to index
      %get3A_20 = tpu.vector_load %arg5[%get3A] {strides = array<i32>} : memref<10048xi32, #tpu.memory_space<vmem>>, vector<16xi32>,
      tpu.vector_store_idx %arg4[%get3A_20], %broadcast_in_dim3A_3 {add = true} : memref<10240xf32, #tpu.memory_space<vmem>>[vector<16xi32>], vector<16xf32>,
    }
    %scan3A_14 = arith.constant 628 : i32
    %mul3A_15 = arith.constant 10240 : i32
    %mul3A_16 = arith.muli %add3A, %mul3A_15 : i32
    "tpu.region"() ({
      %run_scoped3A = tpu.sem_alloc : memref<!tpu.dma_semaphore, #tpu.memory_space<semaphore_mem>>
      %dma_start3A = tpu.memref_slice %arg3[%mul3A_16] : memref<327680xf32, #tpu.memory_space<hbm>> -> memref<10240xf32, #tpu.memory_space<hbm>>
      %dma_start3A_17 = tpu.memref_slice %arg3[%mul3A_16] : memref<327680xf32, #tpu.memory_space<hbm>> -> memref<10240xf32, #tpu.memory_space<hbm>>
      tpu.enqueue_dma source(%arg4 : memref<10240xf32, #tpu.memory_space<vmem>>) target(%dma_start3A_17 : memref<10240xf32, #tpu.memory_space<hbm>>) target_semaphore(%run_scoped3A : memref<!tpu.dma_semaphore, #tpu.memory_space<semaphore_mem>>)
      %dma_wait3A = tpu.memref_slice %arg3[%mul3A_16] : memref<327680xf32, #tpu.memory_space<hbm>> -> memref<10240xf32, #tpu.memory_space<hbm>>
      %dma_wait3A_18 = tpu.memref_slice %arg3[%mul3A_16] : memref<327680xf32, #tpu.memory_space<hbm>> -> memref<10240xf32, #tpu.memory_space<hbm>>
      tpu.wait_dma2 semaphore(%run_scoped3A : memref<!tpu.dma_semaphore, #tpu.memory_space<semaphore_mem>>) src(%arg4 : memref<10240xf32, #tpu.memory_space<vmem>>) dst(%dma_wait3A_18 : memref<10240xf32, #tpu.memory_space<hbm>>)
      tpu.yield
    }) : () -> ()
    return
  }
}

#map = affine_map<(d0, d1) -> (0, 0)>
#map1 = affine_map<(d0, d1) -> (0, 0, 0)>
module attributes {stable_mosaic.version = 14 : i64} {
  func.func @_scatter_sc(%arg0: i32, %arg1: i32, %arg2: memref<32x10080xi32, #tpu.memory_space<hbm>>, %arg3: memref<32x105x96xi32, #tpu.memory_space<hbm>>, %arg4: memref<10000x128xf32, #tpu.memory_space<hbm>>, %arg5: memref<2x10240x128xf32, #tpu.memory_space<hbm>>, %arg6: memref<10080xi32, #tpu.memory_space<vmem>>, %arg7: memref<105x96xi32, #tpu.memory_space<vmem>>, %arg8: memref<96x128xf32, #tpu.memory_space<vmem>>, %arg9: memref<96x128xf32, #tpu.memory_space<vmem>>, %arg10: memref<10240x128xf32, #tpu.memory_space<vmem_shared>>, %arg11: memref<!tpu.dma_semaphore, #tpu.memory_space<semaphore_mem>>, %arg12: memref<!tpu.dma_semaphore, #tpu.memory_space<semaphore_mem>>) attributes {dimension_semantics = [#tpu.dimension_semantics<core_parallel>, #tpu.dimension_semantics<subcore_parallel>], iteration_bounds = array<i64: 2, 16>, scalar_prefetch = 0 : i64, scratch_operands = 7 : i64, tpu.core_type = #tpu.core_type<sc_vector_subcore>, window_params = [{transform_indices = #map}, {transform_indices = #map1}, {transform_indices = #map}, {transform_indices = #map1}]} {
    %mul3A = arith.constant 16 : i32
    %mul3A_0 = arith.muli %arg0, %mul3A : i32
    %add3A = arith.addi %mul3A_0, %arg1 : i32
    "tpu.region"() ({
      %run_scoped3A_56 = tpu.sem_alloc : memref<!tpu.dma_semaphore, #tpu.memory_space<semaphore_mem>>
      %dma_start3A_57 = arith.constant 0 : i32
      %dma_start3A_58 = tpu.memref_slice %arg2[%add3A, %dma_start3A_57] : memref<32x10080xi32, #tpu.memory_space<hbm>> -> memref<1x10080xi32, #tpu.memory_space<hbm>>
      %dma_start3A_59 = tpu.memref_squeeze %dma_start3A_58 : memref<1x10080xi32, #tpu.memory_space<hbm>> -> memref<10080xi32, #tpu.memory_space<hbm>>
      %dma_start3A_60 = arith.constant 0 : i32
      %dma_start3A_61 = tpu.memref_slice %arg2[%add3A, %dma_start3A_60] : memref<32x10080xi32, #tpu.memory_space<hbm>> -> memref<1x10080xi32, #tpu.memory_space<hbm>>
      %dma_start3A_62 = tpu.memref_squeeze %dma_start3A_61 : memref<1x10080xi32, #tpu.memory_space<hbm>> -> memref<10080xi32, #tpu.memory_space<hbm>>
      tpu.enqueue_dma source(%dma_start3A_62 : memref<10080xi32, #tpu.memory_space<hbm>>) target(%arg6 : memref<10080xi32, #tpu.memory_space<vmem>>) target_semaphore(%run_scoped3A_56 : memref<!tpu.dma_semaphore, #tpu.memory_space<semaphore_mem>>)
      %dma_wait3A_63 = arith.constant 0 : i32
      %dma_wait3A_64 = tpu.memref_slice %arg2[%add3A, %dma_wait3A_63] : memref<32x10080xi32, #tpu.memory_space<hbm>> -> memref<1x10080xi32, #tpu.memory_space<hbm>>
      %dma_wait3A_65 = tpu.memref_squeeze %dma_wait3A_64 : memref<1x10080xi32, #tpu.memory_space<hbm>> -> memref<10080xi32, #tpu.memory_space<hbm>>
      %dma_wait3A_66 = arith.constant 0 : i32
      %dma_wait3A_67 = tpu.memref_slice %arg2[%add3A, %dma_wait3A_66] : memref<32x10080xi32, #tpu.memory_space<hbm>> -> memref<1x10080xi32, #tpu.memory_space<hbm>>
      %dma_wait3A_68 = tpu.memref_squeeze %dma_wait3A_67 : memref<1x10080xi32, #tpu.memory_space<hbm>> -> memref<10080xi32, #tpu.memory_space<hbm>>
      tpu.wait_dma2 semaphore(%run_scoped3A_56 : memref<!tpu.dma_semaphore, #tpu.memory_space<semaphore_mem>>) src(%dma_wait3A_68 : memref<10080xi32, #tpu.memory_space<hbm>>) dst(%arg6 : memref<10080xi32, #tpu.memory_space<vmem>>)
      tpu.yield
    }) : () -> ()
    "tpu.region"() ({
      %run_scoped3A_56 = tpu.sem_alloc : memref<!tpu.dma_semaphore, #tpu.memory_space<semaphore_mem>>
      %dma_start3A_57 = arith.constant 0 : i32
      %dma_start3A_58 = arith.constant 0 : i32
      %dma_start3A_59 = tpu.memref_slice %arg3[%add3A, %dma_start3A_57, %dma_start3A_58] : memref<32x105x96xi32, #tpu.memory_space<hbm>> -> memref<1x105x96xi32, #tpu.memory_space<hbm>>
      %dma_start3A_60 = tpu.memref_squeeze %dma_start3A_59 : memref<1x105x96xi32, #tpu.memory_space<hbm>> -> memref<105x96xi32, #tpu.memory_space<hbm>>
      %dma_start3A_61 = arith.constant 0 : i32
      %dma_start3A_62 = arith.constant 0 : i32
      %dma_start3A_63 = tpu.memref_slice %arg3[%add3A, %dma_start3A_61, %dma_start3A_62] : memref<32x105x96xi32, #tpu.memory_space<hbm>> -> memref<1x105x96xi32, #tpu.memory_space<hbm>>
      %dma_start3A_64 = tpu.memref_squeeze %dma_start3A_63 : memref<1x105x96xi32, #tpu.memory_space<hbm>> -> memref<105x96xi32, #tpu.memory_space<hbm>>
      tpu.enqueue_dma source(%dma_start3A_64 : memref<105x96xi32, #tpu.memory_space<hbm>>) target(%arg7 : memref<105x96xi32, #tpu.memory_space<vmem>>) target_semaphore(%run_scoped3A_56 : memref<!tpu.dma_semaphore, #tpu.memory_space<semaphore_mem>>)
      %dma_wait3A_65 = arith.constant 0 : i32
      %dma_wait3A_66 = arith.constant 0 : i32
      %dma_wait3A_67 = tpu.memref_slice %arg3[%add3A, %dma_wait3A_65, %dma_wait3A_66] : memref<32x105x96xi32, #tpu.memory_space<hbm>> -> memref<1x105x96xi32, #tpu.memory_space<hbm>>
      %dma_wait3A_68 = tpu.memref_squeeze %dma_wait3A_67 : memref<1x105x96xi32, #tpu.memory_space<hbm>> -> memref<105x96xi32, #tpu.memory_space<hbm>>
      %dma_wait3A_69 = arith.constant 0 : i32
      %dma_wait3A_70 = arith.constant 0 : i32
      %dma_wait3A_71 = tpu.memref_slice %arg3[%add3A, %dma_wait3A_69, %dma_wait3A_70] : memref<32x105x96xi32, #tpu.memory_space<hbm>> -> memref<1x105x96xi32, #tpu.memory_space<hbm>>
      %dma_wait3A_72 = tpu.memref_squeeze %dma_wait3A_71 : memref<1x105x96xi32, #tpu.memory_space<hbm>> -> memref<105x96xi32, #tpu.memory_space<hbm>>
      tpu.wait_dma2 semaphore(%run_scoped3A_56 : memref<!tpu.dma_semaphore, #tpu.memory_space<semaphore_mem>>) src(%dma_wait3A_72 : memref<105x96xi32, #tpu.memory_space<hbm>>) dst(%arg7 : memref<105x96xi32, #tpu.memory_space<vmem>>)
      tpu.yield
    }) : () -> ()
    %broadcast_in_dim3A = arith.constant 0.000000e+00 : f32
    %broadcast_in_dim3A_1 = vector.broadcast %broadcast_in_dim3A : f32 to vector<16xf32>
    %scan3A = arith.constant 0 : i32
    %scan3A_2 = arith.constant 96 : i32
    %scan3A_3 = arith.addi %scan3A, %scan3A_2 : i32
    %scan3A_4 = arith.constant 1 : i32
    scf.for %scan3A_56 = %scan3A to %scan3A_3 step %scan3A_4  : i32 {
      %swap3A = arith.index_cast %scan3A_56 : i32 to index
      %swap3A_57 = arith.constant 0 : index
      %swap3A_58 = tpu.vector_load %arg8[%swap3A, %swap3A_57] {strides = array<i32>} : memref<96x128xf32, #tpu.memory_space<vmem>>, vector<16xf32>,
      tpu.vector_store %arg8[%swap3A, %swap3A_57], %broadcast_in_dim3A_1 {strides = array<i32>} : memref<96x128xf32, #tpu.memory_space<vmem>>, vector<16xf32>,
      %swap3A_59 = arith.index_cast %scan3A_56 : i32 to index
      %swap3A_60 = arith.constant 16 : index
      %swap3A_61 = tpu.vector_load %arg8[%swap3A_59, %swap3A_60] {strides = array<i32>} : memref<96x128xf32, #tpu.memory_space<vmem>>, vector<16xf32>,
      tpu.vector_store %arg8[%swap3A_59, %swap3A_60], %broadcast_in_dim3A_1 {strides = array<i32>} : memref<96x128xf32, #tpu.memory_space<vmem>>, vector<16xf32>,
      %swap3A_62 = arith.index_cast %scan3A_56 : i32 to index
      %swap3A_63 = arith.constant 32 : index
      %swap3A_64 = tpu.vector_load %arg8[%swap3A_62, %swap3A_63] {strides = array<i32>} : memref<96x128xf32, #tpu.memory_space<vmem>>, vector<16xf32>,
      tpu.vector_store %arg8[%swap3A_62, %swap3A_63], %broadcast_in_dim3A_1 {strides = array<i32>} : memref<96x128xf32, #tpu.memory_space<vmem>>, vector<16xf32>,
      %swap3A_65 = arith.index_cast %scan3A_56 : i32 to index
      %swap3A_66 = arith.constant 48 : index
      %swap3A_67 = tpu.vector_load %arg8[%swap3A_65, %swap3A_66] {strides = array<i32>} : memref<96x128xf32, #tpu.memory_space<vmem>>, vector<16xf32>,
      tpu.vector_store %arg8[%swap3A_65, %swap3A_66], %broadcast_in_dim3A_1 {strides = array<i32>} : memref<96x128xf32, #tpu.memory_space<vmem>>, vector<16xf32>,
      %swap3A_68 = arith.index_cast %scan3A_56 : i32 to index
      %swap3A_69 = arith.constant 64 : index
      %swap3A_70 = tpu.vector_load %arg8[%swap3A_68, %swap3A_69] {strides = array<i32>} : memref<96x128xf32, #tpu.memory_space<vmem>>, vector<16xf32>,
      tpu.vector_store %arg8[%swap3A_68, %swap3A_69], %broadcast_in_dim3A_1 {strides = array<i32>} : memref<96x128xf32, #tpu.memory_space<vmem>>, vector<16xf32>,
      %swap3A_71 = arith.index_cast %scan3A_56 : i32 to index
      %swap3A_72 = arith.constant 80 : index
      %swap3A_73 = tpu.vector_load %arg8[%swap3A_71, %swap3A_72] {strides = array<i32>} : memref<96x128xf32, #tpu.memory_space<vmem>>, vector<16xf32>,
      tpu.vector_store %arg8[%swap3A_71, %swap3A_72], %broadcast_in_dim3A_1 {strides = array<i32>} : memref<96x128xf32, #tpu.memory_space<vmem>>, vector<16xf32>,
      %swap3A_74 = arith.index_cast %scan3A_56 : i32 to index
      %swap3A_75 = arith.constant 96 : index
      %swap3A_76 = tpu.vector_load %arg8[%swap3A_74, %swap3A_75] {strides = array<i32>} : memref<96x128xf32, #tpu.memory_space<vmem>>, vector<16xf32>,
      tpu.vector_store %arg8[%swap3A_74, %swap3A_75], %broadcast_in_dim3A_1 {strides = array<i32>} : memref<96x128xf32, #tpu.memory_space<vmem>>, vector<16xf32>,
      %swap3A_77 = arith.index_cast %scan3A_56 : i32 to index
      %swap3A_78 = arith.constant 112 : index
      %swap3A_79 = tpu.vector_load %arg8[%swap3A_77, %swap3A_78] {strides = array<i32>} : memref<96x128xf32, #tpu.memory_space<vmem>>, vector<16xf32>,
      tpu.vector_store %arg8[%swap3A_77, %swap3A_78], %broadcast_in_dim3A_1 {strides = array<i32>} : memref<96x128xf32, #tpu.memory_space<vmem>>, vector<16xf32>,
    }
    %scan3A_5 = arith.constant 96 : i32
    %mul3A_6 = arith.constant 640 : i32
    %mul3A_7 = arith.muli %arg1, %mul3A_6 : i32
    %add3A_8 = arith.constant 0 : i32
    %add3A_9 = arith.addi %mul3A_7, %add3A_8 : i32
    "tpu.region"() ({
      %run_scoped3A_56 = tpu.sem_alloc : memref<!tpu.dma_semaphore, #tpu.memory_space<semaphore_mem>>
      %dma_start3A_57 = arith.constant 0 : i32
      %dma_start3A_58 = arith.constant 0 : i32
      %dma_start3A_59 = tpu.memref_slice %arg8[%dma_start3A_57, %dma_start3A_58] : memref<96x128xf32, #tpu.memory_space<vmem>> -> memref<80x128xf32, #tpu.memory_space<vmem>>
      %dma_start3A_60 = arith.constant 0 : i32
      %dma_start3A_61 = tpu.memref_slice %arg10[%add3A_9, %dma_start3A_60] : memref<10240x128xf32, #tpu.memory_space<vmem_shared>> -> memref<80x128xf32, #tpu.memory_space<vmem_shared>>
      %dma_start3A_62 = arith.constant 0 : i32
      %dma_start3A_63 = tpu.memref_slice %arg10[%add3A_9, %dma_start3A_62] : memref<10240x128xf32, #tpu.memory_space<vmem_shared>> -> memref<80x128xf32, #tpu.memory_space<vmem_shared>>
      %dma_start3A_64 = arith.constant 0 : i32
      %dma_start3A_65 = arith.constant 0 : i32
      %dma_start3A_66 = tpu.memref_slice %arg8[%dma_start3A_64, %dma_start3A_65] : memref<96x128xf32, #tpu.memory_space<vmem>> -> memref<80x128xf32, #tpu.memory_space<vmem>>
      tpu.enqueue_dma source(%dma_start3A_66 : memref<80x128xf32, #tpu.memory_space<vmem>>) target(%dma_start3A_63 : memref<80x128xf32, #tpu.memory_space<vmem_shared>>) target_semaphore(%run_scoped3A_56 : memref<!tpu.dma_semaphore, #tpu.memory_space<semaphore_mem>>)
      %dma_wait3A_67 = arith.constant 0 : i32
      %dma_wait3A_68 = arith.constant 0 : i32
      %dma_wait3A_69 = tpu.memref_slice %arg8[%dma_wait3A_67, %dma_wait3A_68] : memref<96x128xf32, #tpu.memory_space<vmem>> -> memref<80x128xf32, #tpu.memory_space<vmem>>
      %dma_wait3A_70 = arith.constant 0 : i32
      %dma_wait3A_71 = tpu.memref_slice %arg10[%add3A_9, %dma_wait3A_70] : memref<10240x128xf32, #tpu.memory_space<vmem_shared>> -> memref<80x128xf32, #tpu.memory_space<vmem_shared>>
      %dma_wait3A_72 = arith.constant 0 : i32
      %dma_wait3A_73 = tpu.memref_slice %arg10[%add3A_9, %dma_wait3A_72] : memref<10240x128xf32, #tpu.memory_space<vmem_shared>> -> memref<80x128xf32, #tpu.memory_space<vmem_shared>>
      %dma_wait3A_74 = arith.constant 0 : i32
      %dma_wait3A_75 = arith.constant 0 : i32
      %dma_wait3A_76 = tpu.memref_slice %arg8[%dma_wait3A_74, %dma_wait3A_75] : memref<96x128xf32, #tpu.memory_space<vmem>> -> memref<80x128xf32, #tpu.memory_space<vmem>>
      tpu.wait_dma2 semaphore(%run_scoped3A_56 : memref<!tpu.dma_semaphore, #tpu.memory_space<semaphore_mem>>) src(%dma_wait3A_76 : memref<80x128xf32, #tpu.memory_space<vmem>>) dst(%dma_wait3A_73 : memref<80x128xf32, #tpu.memory_space<vmem_shared>>)
      tpu.yield
    }) : () -> ()
    %mul3A_10 = arith.constant 640 : i32
    %mul3A_11 = arith.muli %arg1, %mul3A_10 : i32
    %add3A_12 = arith.constant 80 : i32
    %add3A_13 = arith.addi %mul3A_11, %add3A_12 : i32
    "tpu.region"() ({
      %run_scoped3A_56 = tpu.sem_alloc : memref<!tpu.dma_semaphore, #tpu.memory_space<semaphore_mem>>
      %dma_start3A_57 = arith.constant 0 : i32
      %dma_start3A_58 = arith.constant 0 : i32
      %dma_start3A_59 = tpu.memref_slice %arg8[%dma_start3A_57, %dma_start3A_58] : memref<96x128xf32, #tpu.memory_space<vmem>> -> memref<80x128xf32, #tpu.memory_space<vmem>>
      %dma_start3A_60 = arith.constant 0 : i32
      %dma_start3A_61 = tpu.memref_slice %arg10[%add3A_13, %dma_start3A_60] : memref<10240x128xf32, #tpu.memory_space<vmem_shared>> -> memref<80x128xf32, #tpu.memory_space<vmem_shared>>
      %dma_start3A_62 = arith.constant 0 : i32
      %dma_start3A_63 = tpu.memref_slice %arg10[%add3A_13, %dma_start3A_62] : memref<10240x128xf32, #tpu.memory_space<vmem_shared>> -> memref<80x128xf32, #tpu.memory_space<vmem_shared>>
      %dma_start3A_64 = arith.constant 0 : i32
      %dma_start3A_65 = arith.constant 0 : i32
      %dma_start3A_66 = tpu.memref_slice %arg8[%dma_start3A_64, %dma_start3A_65] : memref<96x128xf32, #tpu.memory_space<vmem>> -> memref<80x128xf32, #tpu.memory_space<vmem>>
      tpu.enqueue_dma source(%dma_start3A_66 : memref<80x128xf32, #tpu.memory_space<vmem>>) target(%dma_start3A_63 : memref<80x128xf32, #tpu.memory_space<vmem_shared>>) target_semaphore(%run_scoped3A_56 : memref<!tpu.dma_semaphore, #tpu.memory_space<semaphore_mem>>)
      %dma_wait3A_67 = arith.constant 0 : i32
      %dma_wait3A_68 = arith.constant 0 : i32
      %dma_wait3A_69 = tpu.memref_slice %arg8[%dma_wait3A_67, %dma_wait3A_68] : memref<96x128xf32, #tpu.memory_space<vmem>> -> memref<80x128xf32, #tpu.memory_space<vmem>>
      %dma_wait3A_70 = arith.constant 0 : i32
      %dma_wait3A_71 = tpu.memref_slice %arg10[%add3A_13, %dma_wait3A_70] : memref<10240x128xf32, #tpu.memory_space<vmem_shared>> -> memref<80x128xf32, #tpu.memory_space<vmem_shared>>
      %dma_wait3A_72 = arith.constant 0 : i32
      %dma_wait3A_73 = tpu.memref_slice %arg10[%add3A_13, %dma_wait3A_72] : memref<10240x128xf32, #tpu.memory_space<vmem_shared>> -> memref<80x128xf32, #tpu.memory_space<vmem_shared>>
      %dma_wait3A_74 = arith.constant 0 : i32
      %dma_wait3A_75 = arith.constant 0 : i32
      %dma_wait3A_76 = tpu.memref_slice %arg8[%dma_wait3A_74, %dma_wait3A_75] : memref<96x128xf32, #tpu.memory_space<vmem>> -> memref<80x128xf32, #tpu.memory_space<vmem>>
      tpu.wait_dma2 semaphore(%run_scoped3A_56 : memref<!tpu.dma_semaphore, #tpu.memory_space<semaphore_mem>>) src(%dma_wait3A_76 : memref<80x128xf32, #tpu.memory_space<vmem>>) dst(%dma_wait3A_73 : memref<80x128xf32, #tpu.memory_space<vmem_shared>>)
      tpu.yield
    }) : () -> ()
    %mul3A_14 = arith.constant 640 : i32
    %mul3A_15 = arith.muli %arg1, %mul3A_14 : i32
    %add3A_16 = arith.constant 160 : i32
    %add3A_17 = arith.addi %mul3A_15, %add3A_16 : i32
    "tpu.region"() ({
      %run_scoped3A_56 = tpu.sem_alloc : memref<!tpu.dma_semaphore, #tpu.memory_space<semaphore_mem>>
      %dma_start3A_57 = arith.constant 0 : i32
      %dma_start3A_58 = arith.constant 0 : i32
      %dma_start3A_59 = tpu.memref_slice %arg8[%dma_start3A_57, %dma_start3A_58] : memref<96x128xf32, #tpu.memory_space<vmem>> -> memref<80x128xf32, #tpu.memory_space<vmem>>
      %dma_start3A_60 = arith.constant 0 : i32
      %dma_start3A_61 = tpu.memref_slice %arg10[%add3A_17, %dma_start3A_60] : memref<10240x128xf32, #tpu.memory_space<vmem_shared>> -> memref<80x128xf32, #tpu.memory_space<vmem_shared>>
      %dma_start3A_62 = arith.constant 0 : i32
      %dma_start3A_63 = tpu.memref_slice %arg10[%add3A_17, %dma_start3A_62] : memref<10240x128xf32, #tpu.memory_space<vmem_shared>> -> memref<80x128xf32, #tpu.memory_space<vmem_shared>>
      %dma_start3A_64 = arith.constant 0 : i32
      %dma_start3A_65 = arith.constant 0 : i32
      %dma_start3A_66 = tpu.memref_slice %arg8[%dma_start3A_64, %dma_start3A_65] : memref<96x128xf32, #tpu.memory_space<vmem>> -> memref<80x128xf32, #tpu.memory_space<vmem>>
      tpu.enqueue_dma source(%dma_start3A_66 : memref<80x128xf32, #tpu.memory_space<vmem>>) target(%dma_start3A_63 : memref<80x128xf32, #tpu.memory_space<vmem_shared>>) target_semaphore(%run_scoped3A_56 : memref<!tpu.dma_semaphore, #tpu.memory_space<semaphore_mem>>)
      %dma_wait3A_67 = arith.constant 0 : i32
      %dma_wait3A_68 = arith.constant 0 : i32
      %dma_wait3A_69 = tpu.memref_slice %arg8[%dma_wait3A_67, %dma_wait3A_68] : memref<96x128xf32, #tpu.memory_space<vmem>> -> memref<80x128xf32, #tpu.memory_space<vmem>>
      %dma_wait3A_70 = arith.constant 0 : i32
      %dma_wait3A_71 = tpu.memref_slice %arg10[%add3A_17, %dma_wait3A_70] : memref<10240x128xf32, #tpu.memory_space<vmem_shared>> -> memref<80x128xf32, #tpu.memory_space<vmem_shared>>
      %dma_wait3A_72 = arith.constant 0 : i32
      %dma_wait3A_73 = tpu.memref_slice %arg10[%add3A_17, %dma_wait3A_72] : memref<10240x128xf32, #tpu.memory_space<vmem_shared>> -> memref<80x128xf32, #tpu.memory_space<vmem_shared>>
      %dma_wait3A_74 = arith.constant 0 : i32
      %dma_wait3A_75 = arith.constant 0 : i32
      %dma_wait3A_76 = tpu.memref_slice %arg8[%dma_wait3A_74, %dma_wait3A_75] : memref<96x128xf32, #tpu.memory_space<vmem>> -> memref<80x128xf32, #tpu.memory_space<vmem>>
      tpu.wait_dma2 semaphore(%run_scoped3A_56 : memref<!tpu.dma_semaphore, #tpu.memory_space<semaphore_mem>>) src(%dma_wait3A_76 : memref<80x128xf32, #tpu.memory_space<vmem>>) dst(%dma_wait3A_73 : memref<80x128xf32, #tpu.memory_space<vmem_shared>>)
      tpu.yield
    }) : () -> ()
    %mul3A_18 = arith.constant 640 : i32
    %mul3A_19 = arith.muli %arg1, %mul3A_18 : i32
    %add3A_20 = arith.constant 240 : i32
    %add3A_21 = arith.addi %mul3A_19, %add3A_20 : i32
    "tpu.region"() ({
      %run_scoped3A_56 = tpu.sem_alloc : memref<!tpu.dma_semaphore, #tpu.memory_space<semaphore_mem>>
      %dma_start3A_57 = arith.constant 0 : i32
      %dma_start3A_58 = arith.constant 0 : i32
      %dma_start3A_59 = tpu.memref_slice %arg8[%dma_start3A_57, %dma_start3A_58] : memref<96x128xf32, #tpu.memory_space<vmem>> -> memref<80x128xf32, #tpu.memory_space<vmem>>
      %dma_start3A_60 = arith.constant 0 : i32
      %dma_start3A_61 = tpu.memref_slice %arg10[%add3A_21, %dma_start3A_60] : memref<10240x128xf32, #tpu.memory_space<vmem_shared>> -> memref<80x128xf32, #tpu.memory_space<vmem_shared>>
      %dma_start3A_62 = arith.constant 0 : i32
      %dma_start3A_63 = tpu.memref_slice %arg10[%add3A_21, %dma_start3A_62] : memref<10240x128xf32, #tpu.memory_space<vmem_shared>> -> memref<80x128xf32, #tpu.memory_space<vmem_shared>>
      %dma_start3A_64 = arith.constant 0 : i32
      %dma_start3A_65 = arith.constant 0 : i32
      %dma_start3A_66 = tpu.memref_slice %arg8[%dma_start3A_64, %dma_start3A_65] : memref<96x128xf32, #tpu.memory_space<vmem>> -> memref<80x128xf32, #tpu.memory_space<vmem>>
      tpu.enqueue_dma source(%dma_start3A_66 : memref<80x128xf32, #tpu.memory_space<vmem>>) target(%dma_start3A_63 : memref<80x128xf32, #tpu.memory_space<vmem_shared>>) target_semaphore(%run_scoped3A_56 : memref<!tpu.dma_semaphore, #tpu.memory_space<semaphore_mem>>)
      %dma_wait3A_67 = arith.constant 0 : i32
      %dma_wait3A_68 = arith.constant 0 : i32
      %dma_wait3A_69 = tpu.memref_slice %arg8[%dma_wait3A_67, %dma_wait3A_68] : memref<96x128xf32, #tpu.memory_space<vmem>> -> memref<80x128xf32, #tpu.memory_space<vmem>>
      %dma_wait3A_70 = arith.constant 0 : i32
      %dma_wait3A_71 = tpu.memref_slice %arg10[%add3A_21, %dma_wait3A_70] : memref<10240x128xf32, #tpu.memory_space<vmem_shared>> -> memref<80x128xf32, #tpu.memory_space<vmem_shared>>
      %dma_wait3A_72 = arith.constant 0 : i32
      %dma_wait3A_73 = tpu.memref_slice %arg10[%add3A_21, %dma_wait3A_72] : memref<10240x128xf32, #tpu.memory_space<vmem_shared>> -> memref<80x128xf32, #tpu.memory_space<vmem_shared>>
      %dma_wait3A_74 = arith.constant 0 : i32
      %dma_wait3A_75 = arith.constant 0 : i32
      %dma_wait3A_76 = tpu.memref_slice %arg8[%dma_wait3A_74, %dma_wait3A_75] : memref<96x128xf32, #tpu.memory_space<vmem>> -> memref<80x128xf32, #tpu.memory_space<vmem>>
      tpu.wait_dma2 semaphore(%run_scoped3A_56 : memref<!tpu.dma_semaphore, #tpu.memory_space<semaphore_mem>>) src(%dma_wait3A_76 : memref<80x128xf32, #tpu.memory_space<vmem>>) dst(%dma_wait3A_73 : memref<80x128xf32, #tpu.memory_space<vmem_shared>>)
      tpu.yield
    }) : () -> ()
    %mul3A_22 = arith.constant 640 : i32
    %mul3A_23 = arith.muli %arg1, %mul3A_22 : i32
    %add3A_24 = arith.constant 320 : i32
    %add3A_25 = arith.addi %mul3A_23, %add3A_24 : i32
    "tpu.region"() ({
      %run_scoped3A_56 = tpu.sem_alloc : memref<!tpu.dma_semaphore, #tpu.memory_space<semaphore_mem>>
      %dma_start3A_57 = arith.constant 0 : i32
      %dma_start3A_58 = arith.constant 0 : i32
      %dma_start3A_59 = tpu.memref_slice %arg8[%dma_start3A_57, %dma_start3A_58] : memref<96x128xf32, #tpu.memory_space<vmem>> -> memref<80x128xf32, #tpu.memory_space<vmem>>
      %dma_start3A_60 = arith.constant 0 : i32
      %dma_start3A_61 = tpu.memref_slice %arg10[%add3A_25, %dma_start3A_60] : memref<10240x128xf32, #tpu.memory_space<vmem_shared>> -> memref<80x128xf32, #tpu.memory_space<vmem_shared>>
      %dma_start3A_62 = arith.constant 0 : i32
      %dma_start3A_63 = tpu.memref_slice %arg10[%add3A_25, %dma_start3A_62] : memref<10240x128xf32, #tpu.memory_space<vmem_shared>> -> memref<80x128xf32, #tpu.memory_space<vmem_shared>>
      %dma_start3A_64 = arith.constant 0 : i32
      %dma_start3A_65 = arith.constant 0 : i32
      %dma_start3A_66 = tpu.memref_slice %arg8[%dma_start3A_64, %dma_start3A_65] : memref<96x128xf32, #tpu.memory_space<vmem>> -> memref<80x128xf32, #tpu.memory_space<vmem>>
      tpu.enqueue_dma source(%dma_start3A_66 : memref<80x128xf32, #tpu.memory_space<vmem>>) target(%dma_start3A_63 : memref<80x128xf32, #tpu.memory_space<vmem_shared>>) target_semaphore(%run_scoped3A_56 : memref<!tpu.dma_semaphore, #tpu.memory_space<semaphore_mem>>)
      %dma_wait3A_67 = arith.constant 0 : i32
      %dma_wait3A_68 = arith.constant 0 : i32
      %dma_wait3A_69 = tpu.memref_slice %arg8[%dma_wait3A_67, %dma_wait3A_68] : memref<96x128xf32, #tpu.memory_space<vmem>> -> memref<80x128xf32, #tpu.memory_space<vmem>>
      %dma_wait3A_70 = arith.constant 0 : i32
      %dma_wait3A_71 = tpu.memref_slice %arg10[%add3A_25, %dma_wait3A_70] : memref<10240x128xf32, #tpu.memory_space<vmem_shared>> -> memref<80x128xf32, #tpu.memory_space<vmem_shared>>
      %dma_wait3A_72 = arith.constant 0 : i32
      %dma_wait3A_73 = tpu.memref_slice %arg10[%add3A_25, %dma_wait3A_72] : memref<10240x128xf32, #tpu.memory_space<vmem_shared>> -> memref<80x128xf32, #tpu.memory_space<vmem_shared>>
      %dma_wait3A_74 = arith.constant 0 : i32
      %dma_wait3A_75 = arith.constant 0 : i32
      %dma_wait3A_76 = tpu.memref_slice %arg8[%dma_wait3A_74, %dma_wait3A_75] : memref<96x128xf32, #tpu.memory_space<vmem>> -> memref<80x128xf32, #tpu.memory_space<vmem>>
      tpu.wait_dma2 semaphore(%run_scoped3A_56 : memref<!tpu.dma_semaphore, #tpu.memory_space<semaphore_mem>>) src(%dma_wait3A_76 : memref<80x128xf32, #tpu.memory_space<vmem>>) dst(%dma_wait3A_73 : memref<80x128xf32, #tpu.memory_space<vmem_shared>>)
      tpu.yield
    }) : () -> ()
    %mul3A_26 = arith.constant 640 : i32
    %mul3A_27 = arith.muli %arg1, %mul3A_26 : i32
    %add3A_28 = arith.constant 400 : i32
    %add3A_29 = arith.addi %mul3A_27, %add3A_28 : i32
    "tpu.region"() ({
      %run_scoped3A_56 = tpu.sem_alloc : memref<!tpu.dma_semaphore, #tpu.memory_space<semaphore_mem>>
      %dma_start3A_57 = arith.constant 0 : i32
      %dma_start3A_58 = arith.constant 0 : i32
      %dma_start3A_59 = tpu.memref_slice %arg8[%dma_start3A_57, %dma_start3A_58] : memref<96x128xf32, #tpu.memory_space<vmem>> -> memref<80x128xf32, #tpu.memory_space<vmem>>
      %dma_start3A_60 = arith.constant 0 : i32
      %dma_start3A_61 = tpu.memref_slice %arg10[%add3A_29, %dma_start3A_60] : memref<10240x128xf32, #tpu.memory_space<vmem_shared>> -> memref<80x128xf32, #tpu.memory_space<vmem_shared>>
      %dma_start3A_62 = arith.constant 0 : i32
      %dma_start3A_63 = tpu.memref_slice %arg10[%add3A_29, %dma_start3A_62] : memref<10240x128xf32, #tpu.memory_space<vmem_shared>> -> memref<80x128xf32, #tpu.memory_space<vmem_shared>>
      %dma_start3A_64 = arith.constant 0 : i32
      %dma_start3A_65 = arith.constant 0 : i32
      %dma_start3A_66 = tpu.memref_slice %arg8[%dma_start3A_64, %dma_start3A_65] : memref<96x128xf32, #tpu.memory_space<vmem>> -> memref<80x128xf32, #tpu.memory_space<vmem>>
      tpu.enqueue_dma source(%dma_start3A_66 : memref<80x128xf32, #tpu.memory_space<vmem>>) target(%dma_start3A_63 : memref<80x128xf32, #tpu.memory_space<vmem_shared>>) target_semaphore(%run_scoped3A_56 : memref<!tpu.dma_semaphore, #tpu.memory_space<semaphore_mem>>)
      %dma_wait3A_67 = arith.constant 0 : i32
      %dma_wait3A_68 = arith.constant 0 : i32
      %dma_wait3A_69 = tpu.memref_slice %arg8[%dma_wait3A_67, %dma_wait3A_68] : memref<96x128xf32, #tpu.memory_space<vmem>> -> memref<80x128xf32, #tpu.memory_space<vmem>>
      %dma_wait3A_70 = arith.constant 0 : i32
      %dma_wait3A_71 = tpu.memref_slice %arg10[%add3A_29, %dma_wait3A_70] : memref<10240x128xf32, #tpu.memory_space<vmem_shared>> -> memref<80x128xf32, #tpu.memory_space<vmem_shared>>
      %dma_wait3A_72 = arith.constant 0 : i32
      %dma_wait3A_73 = tpu.memref_slice %arg10[%add3A_29, %dma_wait3A_72] : memref<10240x128xf32, #tpu.memory_space<vmem_shared>> -> memref<80x128xf32, #tpu.memory_space<vmem_shared>>
      %dma_wait3A_74 = arith.constant 0 : i32
      %dma_wait3A_75 = arith.constant 0 : i32
      %dma_wait3A_76 = tpu.memref_slice %arg8[%dma_wait3A_74, %dma_wait3A_75] : memref<96x128xf32, #tpu.memory_space<vmem>> -> memref<80x128xf32, #tpu.memory_space<vmem>>
      tpu.wait_dma2 semaphore(%run_scoped3A_56 : memref<!tpu.dma_semaphore, #tpu.memory_space<semaphore_mem>>) src(%dma_wait3A_76 : memref<80x128xf32, #tpu.memory_space<vmem>>) dst(%dma_wait3A_73 : memref<80x128xf32, #tpu.memory_space<vmem_shared>>)
      tpu.yield
    }) : () -> ()
    %mul3A_30 = arith.constant 640 : i32
    %mul3A_31 = arith.muli %arg1, %mul3A_30 : i32
    %add3A_32 = arith.constant 480 : i32
    %add3A_33 = arith.addi %mul3A_31, %add3A_32 : i32
    "tpu.region"() ({
      %run_scoped3A_56 = tpu.sem_alloc : memref<!tpu.dma_semaphore, #tpu.memory_space<semaphore_mem>>
      %dma_start3A_57 = arith.constant 0 : i32
      %dma_start3A_58 = arith.constant 0 : i32
      %dma_start3A_59 = tpu.memref_slice %arg8[%dma_start3A_57, %dma_start3A_58] : memref<96x128xf32, #tpu.memory_space<vmem>> -> memref<80x128xf32, #tpu.memory_space<vmem>>
      %dma_start3A_60 = arith.constant 0 : i32
      %dma_start3A_61 = tpu.memref_slice %arg10[%add3A_33, %dma_start3A_60] : memref<10240x128xf32, #tpu.memory_space<vmem_shared>> -> memref<80x128xf32, #tpu.memory_space<vmem_shared>>
      %dma_start3A_62 = arith.constant 0 : i32
      %dma_start3A_63 = tpu.memref_slice %arg10[%add3A_33, %dma_start3A_62] : memref<10240x128xf32, #tpu.memory_space<vmem_shared>> -> memref<80x128xf32, #tpu.memory_space<vmem_shared>>
      %dma_start3A_64 = arith.constant 0 : i32
      %dma_start3A_65 = arith.constant 0 : i32
      %dma_start3A_66 = tpu.memref_slice %arg8[%dma_start3A_64, %dma_start3A_65] : memref<96x128xf32, #tpu.memory_space<vmem>> -> memref<80x128xf32, #tpu.memory_space<vmem>>
      tpu.enqueue_dma source(%dma_start3A_66 : memref<80x128xf32, #tpu.memory_space<vmem>>) target(%dma_start3A_63 : memref<80x128xf32, #tpu.memory_space<vmem_shared>>) target_semaphore(%run_scoped3A_56 : memref<!tpu.dma_semaphore, #tpu.memory_space<semaphore_mem>>)
      %dma_wait3A_67 = arith.constant 0 : i32
      %dma_wait3A_68 = arith.constant 0 : i32
      %dma_wait3A_69 = tpu.memref_slice %arg8[%dma_wait3A_67, %dma_wait3A_68] : memref<96x128xf32, #tpu.memory_space<vmem>> -> memref<80x128xf32, #tpu.memory_space<vmem>>
      %dma_wait3A_70 = arith.constant 0 : i32
      %dma_wait3A_71 = tpu.memref_slice %arg10[%add3A_33, %dma_wait3A_70] : memref<10240x128xf32, #tpu.memory_space<vmem_shared>> -> memref<80x128xf32, #tpu.memory_space<vmem_shared>>
      %dma_wait3A_72 = arith.constant 0 : i32
      %dma_wait3A_73 = tpu.memref_slice %arg10[%add3A_33, %dma_wait3A_72] : memref<10240x128xf32, #tpu.memory_space<vmem_shared>> -> memref<80x128xf32, #tpu.memory_space<vmem_shared>>
      %dma_wait3A_74 = arith.constant 0 : i32
      %dma_wait3A_75 = arith.constant 0 : i32
      %dma_wait3A_76 = tpu.memref_slice %arg8[%dma_wait3A_74, %dma_wait3A_75] : memref<96x128xf32, #tpu.memory_space<vmem>> -> memref<80x128xf32, #tpu.memory_space<vmem>>
      tpu.wait_dma2 semaphore(%run_scoped3A_56 : memref<!tpu.dma_semaphore, #tpu.memory_space<semaphore_mem>>) src(%dma_wait3A_76 : memref<80x128xf32, #tpu.memory_space<vmem>>) dst(%dma_wait3A_73 : memref<80x128xf32, #tpu.memory_space<vmem_shared>>)
      tpu.yield
    }) : () -> ()
    %mul3A_34 = arith.constant 640 : i32
    %mul3A_35 = arith.muli %arg1, %mul3A_34 : i32
    %add3A_36 = arith.constant 560 : i32
    %add3A_37 = arith.addi %mul3A_35, %add3A_36 : i32
    "tpu.region"() ({
      %run_scoped3A_56 = tpu.sem_alloc : memref<!tpu.dma_semaphore, #tpu.memory_space<semaphore_mem>>
      %dma_start3A_57 = arith.constant 0 : i32
      %dma_start3A_58 = arith.constant 0 : i32
      %dma_start3A_59 = tpu.memref_slice %arg8[%dma_start3A_57, %dma_start3A_58] : memref<96x128xf32, #tpu.memory_space<vmem>> -> memref<80x128xf32, #tpu.memory_space<vmem>>
      %dma_start3A_60 = arith.constant 0 : i32
      %dma_start3A_61 = tpu.memref_slice %arg10[%add3A_37, %dma_start3A_60] : memref<10240x128xf32, #tpu.memory_space<vmem_shared>> -> memref<80x128xf32, #tpu.memory_space<vmem_shared>>
      %dma_start3A_62 = arith.constant 0 : i32
      %dma_start3A_63 = tpu.memref_slice %arg10[%add3A_37, %dma_start3A_62] : memref<10240x128xf32, #tpu.memory_space<vmem_shared>> -> memref<80x128xf32, #tpu.memory_space<vmem_shared>>
      %dma_start3A_64 = arith.constant 0 : i32
      %dma_start3A_65 = arith.constant 0 : i32
      %dma_start3A_66 = tpu.memref_slice %arg8[%dma_start3A_64, %dma_start3A_65] : memref<96x128xf32, #tpu.memory_space<vmem>> -> memref<80x128xf32, #tpu.memory_space<vmem>>
      tpu.enqueue_dma source(%dma_start3A_66 : memref<80x128xf32, #tpu.memory_space<vmem>>) target(%dma_start3A_63 : memref<80x128xf32, #tpu.memory_space<vmem_shared>>) target_semaphore(%run_scoped3A_56 : memref<!tpu.dma_semaphore, #tpu.memory_space<semaphore_mem>>)
      %dma_wait3A_67 = arith.constant 0 : i32
      %dma_wait3A_68 = arith.constant 0 : i32
      %dma_wait3A_69 = tpu.memref_slice %arg8[%dma_wait3A_67, %dma_wait3A_68] : memref<96x128xf32, #tpu.memory_space<vmem>> -> memref<80x128xf32, #tpu.memory_space<vmem>>
      %dma_wait3A_70 = arith.constant 0 : i32
      %dma_wait3A_71 = tpu.memref_slice %arg10[%add3A_37, %dma_wait3A_70] : memref<10240x128xf32, #tpu.memory_space<vmem_shared>> -> memref<80x128xf32, #tpu.memory_space<vmem_shared>>
      %dma_wait3A_72 = arith.constant 0 : i32
      %dma_wait3A_73 = tpu.memref_slice %arg10[%add3A_37, %dma_wait3A_72] : memref<10240x128xf32, #tpu.memory_space<vmem_shared>> -> memref<80x128xf32, #tpu.memory_space<vmem_shared>>
      %dma_wait3A_74 = arith.constant 0 : i32
      %dma_wait3A_75 = arith.constant 0 : i32
      %dma_wait3A_76 = tpu.memref_slice %arg8[%dma_wait3A_74, %dma_wait3A_75] : memref<96x128xf32, #tpu.memory_space<vmem>> -> memref<80x128xf32, #tpu.memory_space<vmem>>
      tpu.wait_dma2 semaphore(%run_scoped3A_56 : memref<!tpu.dma_semaphore, #tpu.memory_space<semaphore_mem>>) src(%dma_wait3A_76 : memref<80x128xf32, #tpu.memory_space<vmem>>) dst(%dma_wait3A_73 : memref<80x128xf32, #tpu.memory_space<vmem_shared>>)
      tpu.yield
    }) : () -> ()
    %barrier3A = arith.constant 0 : index
    tpu.barrier barrier_id(%barrier3A)
    %dma_start3A = arith.constant 0 : i32
    %dma_start3A_38 = tpu.memref_slice %arg6[%dma_start3A] : memref<10080xi32, #tpu.memory_space<vmem>> -> memref<96xi32, #tpu.memory_space<vmem>>
    %dma_start3A_39 = arith.constant 0 : i32
    %dma_start3A_40 = arith.constant 0 : i32
    %dma_start3A_41 = tpu.memref_slice %arg4[%dma_start3A_39, %dma_start3A_40] : memref<10000x128xf32, #tpu.memory_space<hbm>> -> memref<10000x128xf32, #tpu.memory_space<hbm>>
    tpu.enqueue_indirect_dma source(%dma_start3A_41 : memref<10000x128xf32, #tpu.memory_space<hbm>>) target(%arg8 : memref<96x128xf32, #tpu.memory_space<vmem>>) offsets(%dma_start3A_38 : memref<96xi32, #tpu.memory_space<vmem>>) semaphore(%arg11 : memref<!tpu.dma_semaphore, #tpu.memory_space<semaphore_mem>>)
    %scan3A_42 = arith.constant 0 : i32
    %scan3A_43 = arith.constant 52 : i32
    %scan3A_44 = arith.addi %scan3A_42, %scan3A_43 : i32
    %scan3A_45 = arith.constant 1 : i32
    scf.for %scan3A_56 = %scan3A_42 to %scan3A_44 step %scan3A_45  : i32 {
      %mul3A_57 = arith.constant 2 : i32
      %mul3A_58 = arith.muli %mul3A_57, %scan3A_56 : i32
      %add3A_59 = arith.constant 1 : i32
      %add3A_60 = arith.addi %mul3A_58, %add3A_59 : i32
      %mul3A_61 = arith.constant 96 : i32
      %mul3A_62 = arith.muli %add3A_60, %mul3A_61 : i32
      %dma_start3A_63 = tpu.memref_slice %arg6[%mul3A_62] : memref<10080xi32, #tpu.memory_space<vmem>> -> memref<96xi32, #tpu.memory_space<vmem>>
      %dma_start3A_64 = arith.constant 0 : i32
      %dma_start3A_65 = arith.constant 0 : i32
      %dma_start3A_66 = tpu.memref_slice %arg4[%dma_start3A_64, %dma_start3A_65] : memref<10000x128xf32, #tpu.memory_space<hbm>> -> memref<10000x128xf32, #tpu.memory_space<hbm>>
      tpu.enqueue_indirect_dma source(%dma_start3A_66 : memref<10000x128xf32, #tpu.memory_space<hbm>>) target(%arg9 : memref<96x128xf32, #tpu.memory_space<vmem>>) offsets(%dma_start3A_63 : memref<96xi32, #tpu.memory_space<vmem>>) semaphore(%arg12 : memref<!tpu.dma_semaphore, #tpu.memory_space<semaphore_mem>>)
      %mul3A_67 = arith.constant 96 : i32
      %mul3A_68 = arith.muli %mul3A_58, %mul3A_67 : i32
      %dma_wait3A_69 = tpu.memref_slice %arg6[%mul3A_68] : memref<10080xi32, #tpu.memory_space<vmem>> -> memref<96xi32, #tpu.memory_space<vmem>>
      %dma_wait3A_70 = arith.constant 0 : i32
      %dma_wait3A_71 = arith.constant 0 : i32
      %dma_wait3A_72 = tpu.memref_slice %arg4[%dma_wait3A_70, %dma_wait3A_71] : memref<10000x128xf32, #tpu.memory_space<hbm>> -> memref<10000x128xf32, #tpu.memory_space<hbm>>
      tpu.wait_indirect_dma semaphore(%arg11 : memref<!tpu.dma_semaphore, #tpu.memory_space<semaphore_mem>>) src(%dma_wait3A_72 : memref<10000x128xf32, #tpu.memory_space<hbm>>) dst(%arg8 : memref<96x128xf32, #tpu.memory_space<vmem>>)
      "tpu.region"() ({
        %run_scoped3A_87 = tpu.sem_alloc : memref<!tpu.dma_semaphore, #tpu.memory_space<semaphore_mem>>
        %dma_start3A_88 = arith.constant 0 : i32
        %dma_start3A_89 = tpu.memref_slice %arg7[%mul3A_58, %dma_start3A_88] : memref<105x96xi32, #tpu.memory_space<vmem>> -> memref<1x96xi32, #tpu.memory_space<vmem>>
        %dma_start3A_90 = tpu.memref_squeeze %dma_start3A_89 : memref<1x96xi32, #tpu.memory_space<vmem>> -> memref<96xi32, #tpu.memory_space<vmem>>
        %dma_start3A_91 = arith.constant 0 : i32
        %dma_start3A_92 = arith.constant 0 : i32
        %dma_start3A_93 = tpu.memref_slice %arg10[%dma_start3A_91, %dma_start3A_92] : memref<10240x128xf32, #tpu.memory_space<vmem_shared>> -> memref<10240x128xf32, #tpu.memory_space<vmem_shared>>
        tpu.enqueue_indirect_dma source(%arg8 : memref<96x128xf32, #tpu.memory_space<vmem>>) target(%dma_start3A_93 : memref<10240x128xf32, #tpu.memory_space<vmem_shared>>) offsets(%dma_start3A_90 : memref<96xi32, #tpu.memory_space<vmem>>) semaphore(%run_scoped3A_87 : memref<!tpu.dma_semaphore, #tpu.memory_space<semaphore_mem>>) {add = true}
        %dma_wait3A_94 = arith.constant 0 : i32
        %dma_wait3A_95 = tpu.memref_slice %arg7[%mul3A_58, %dma_wait3A_94] : memref<105x96xi32, #tpu.memory_space<vmem>> -> memref<1x96xi32, #tpu.memory_space<vmem>>
        %dma_wait3A_96 = tpu.memref_squeeze %dma_wait3A_95 : memref<1x96xi32, #tpu.memory_space<vmem>> -> memref<96xi32, #tpu.memory_space<vmem>>
        %dma_wait3A_97 = arith.constant 0 : i32
        %dma_wait3A_98 = arith.constant 0 : i32
        %dma_wait3A_99 = tpu.memref_slice %arg10[%dma_wait3A_97, %dma_wait3A_98] : memref<10240x128xf32, #tpu.memory_space<vmem_shared>> -> memref<10240x128xf32, #tpu.memory_space<vmem_shared>>
        tpu.wait_indirect_dma semaphore(%run_scoped3A_87 : memref<!tpu.dma_semaphore, #tpu.memory_space<semaphore_mem>>) src(%arg8 : memref<96x128xf32, #tpu.memory_space<vmem>>) dst(%dma_wait3A_99 : memref<10240x128xf32, #tpu.memory_space<vmem_shared>>)
        tpu.yield
      }) : () -> ()
      %add3A_73 = arith.constant 2 : i32
      %add3A_74 = arith.addi %mul3A_58, %add3A_73 : i32
      %mul3A_75 = arith.constant 96 : i32
      %mul3A_76 = arith.muli %add3A_74, %mul3A_75 : i32
      %dma_start3A_77 = tpu.memref_slice %arg6[%mul3A_76] : memref<10080xi32, #tpu.memory_space<vmem>> -> memref<96xi32, #tpu.memory_space<vmem>>
      %dma_start3A_78 = arith.constant 0 : i32
      %dma_start3A_79 = arith.constant 0 : i32
      %dma_start3A_80 = tpu.memref_slice %arg4[%dma_start3A_78, %dma_start3A_79] : memref<10000x128xf32, #tpu.memory_space<hbm>> -> memref<10000x128xf32, #tpu.memory_space<hbm>>
      tpu.enqueue_indirect_dma source(%dma_start3A_80 : memref<10000x128xf32, #tpu.memory_space<hbm>>) target(%arg8 : memref<96x128xf32, #tpu.memory_space<vmem>>) offsets(%dma_start3A_77 : memref<96xi32, #tpu.memory_space<vmem>>) semaphore(%arg11 : memref<!tpu.dma_semaphore, #tpu.memory_space<semaphore_mem>>)
      %mul3A_81 = arith.constant 96 : i32
      %mul3A_82 = arith.muli %add3A_60, %mul3A_81 : i32
      %dma_wait3A_83 = tpu.memref_slice %arg6[%mul3A_82] : memref<10080xi32, #tpu.memory_space<vmem>> -> memref<96xi32, #tpu.memory_space<vmem>>
      %dma_wait3A_84 = arith.constant 0 : i32
      %dma_wait3A_85 = arith.constant 0 : i32
      %dma_wait3A_86 = tpu.memref_slice %arg4[%dma_wait3A_84, %dma_wait3A_85] : memref<10000x128xf32, #tpu.memory_space<hbm>> -> memref<10000x128xf32, #tpu.memory_space<hbm>>
      tpu.wait_indirect_dma semaphore(%arg12 : memref<!tpu.dma_semaphore, #tpu.memory_space<semaphore_mem>>) src(%dma_wait3A_86 : memref<10000x128xf32, #tpu.memory_space<hbm>>) dst(%arg9 : memref<96x128xf32, #tpu.memory_space<vmem>>)
      "tpu.region"() ({
        %run_scoped3A_87 = tpu.sem_alloc : memref<!tpu.dma_semaphore, #tpu.memory_space<semaphore_mem>>
        %dma_start3A_88 = arith.constant 0 : i32
        %dma_start3A_89 = tpu.memref_slice %arg7[%add3A_60, %dma_start3A_88] : memref<105x96xi32, #tpu.memory_space<vmem>> -> memref<1x96xi32, #tpu.memory_space<vmem>>
        %dma_start3A_90 = tpu.memref_squeeze %dma_start3A_89 : memref<1x96xi32, #tpu.memory_space<vmem>> -> memref<96xi32, #tpu.memory_space<vmem>>
        %dma_start3A_91 = arith.constant 0 : i32
        %dma_start3A_92 = arith.constant 0 : i32
        %dma_start3A_93 = tpu.memref_slice %arg10[%dma_start3A_91, %dma_start3A_92] : memref<10240x128xf32, #tpu.memory_space<vmem_shared>> -> memref<10240x128xf32, #tpu.memory_space<vmem_shared>>
        tpu.enqueue_indirect_dma source(%arg9 : memref<96x128xf32, #tpu.memory_space<vmem>>) target(%dma_start3A_93 : memref<10240x128xf32, #tpu.memory_space<vmem_shared>>) offsets(%dma_start3A_90 : memref<96xi32, #tpu.memory_space<vmem>>) semaphore(%run_scoped3A_87 : memref<!tpu.dma_semaphore, #tpu.memory_space<semaphore_mem>>) {add = true}
        %dma_wait3A_94 = arith.constant 0 : i32
        %dma_wait3A_95 = tpu.memref_slice %arg7[%add3A_60, %dma_wait3A_94] : memref<105x96xi32, #tpu.memory_space<vmem>> -> memref<1x96xi32, #tpu.memory_space<vmem>>
        %dma_wait3A_96 = tpu.memref_squeeze %dma_wait3A_95 : memref<1x96xi32, #tpu.memory_space<vmem>> -> memref<96xi32, #tpu.memory_space<vmem>>
        %dma_wait3A_97 = arith.constant 0 : i32
        %dma_wait3A_98 = arith.constant 0 : i32
        %dma_wait3A_99 = tpu.memref_slice %arg10[%dma_wait3A_97, %dma_wait3A_98] : memref<10240x128xf32, #tpu.memory_space<vmem_shared>> -> memref<10240x128xf32, #tpu.memory_space<vmem_shared>>
        tpu.wait_indirect_dma semaphore(%run_scoped3A_87 : memref<!tpu.dma_semaphore, #tpu.memory_space<semaphore_mem>>) src(%arg9 : memref<96x128xf32, #tpu.memory_space<vmem>>) dst(%dma_wait3A_99 : memref<10240x128xf32, #tpu.memory_space<vmem_shared>>)
        tpu.yield
      }) : () -> ()
    }
    %scan3A_46 = arith.constant 52 : i32
    %dma_wait3A = arith.constant 9984 : i32
    %dma_wait3A_47 = tpu.memref_slice %arg6[%dma_wait3A] : memref<10080xi32, #tpu.memory_space<vmem>> -> memref<96xi32, #tpu.memory_space<vmem>>
    %dma_wait3A_48 = arith.constant 0 : i32
    %dma_wait3A_49 = arith.constant 0 : i32
    %dma_wait3A_50 = tpu.memref_slice %arg4[%dma_wait3A_48, %dma_wait3A_49] : memref<10000x128xf32, #tpu.memory_space<hbm>> -> memref<10000x128xf32, #tpu.memory_space<hbm>>
    tpu.wait_indirect_dma semaphore(%arg11 : memref<!tpu.dma_semaphore, #tpu.memory_space<semaphore_mem>>) src(%dma_wait3A_50 : memref<10000x128xf32, #tpu.memory_space<hbm>>) dst(%arg8 : memref<96x128xf32, #tpu.memory_space<vmem>>)
    %run_scoped3A = arith.constant 104 : i32
    "tpu.region"() ({
      %run_scoped3A_56 = tpu.sem_alloc : memref<!tpu.dma_semaphore, #tpu.memory_space<semaphore_mem>>
      %dma_start3A_57 = arith.constant 0 : i32
      %dma_start3A_58 = tpu.memref_slice %arg7[%run_scoped3A, %dma_start3A_57] : memref<105x96xi32, #tpu.memory_space<vmem>> -> memref<1x96xi32, #tpu.memory_space<vmem>>
      %dma_start3A_59 = tpu.memref_squeeze %dma_start3A_58 : memref<1x96xi32, #tpu.memory_space<vmem>> -> memref<96xi32, #tpu.memory_space<vmem>>
      %dma_start3A_60 = arith.constant 0 : i32
      %dma_start3A_61 = arith.constant 0 : i32
      %dma_start3A_62 = tpu.memref_slice %arg10[%dma_start3A_60, %dma_start3A_61] : memref<10240x128xf32, #tpu.memory_space<vmem_shared>> -> memref<10240x128xf32, #tpu.memory_space<vmem_shared>>
      tpu.enqueue_indirect_dma source(%arg8 : memref<96x128xf32, #tpu.memory_space<vmem>>) target(%dma_start3A_62 : memref<10240x128xf32, #tpu.memory_space<vmem_shared>>) offsets(%dma_start3A_59 : memref<96xi32, #tpu.memory_space<vmem>>) semaphore(%run_scoped3A_56 : memref<!tpu.dma_semaphore, #tpu.memory_space<semaphore_mem>>) {add = true}
      %dma_wait3A_63 = arith.constant 0 : i32
      %dma_wait3A_64 = tpu.memref_slice %arg7[%run_scoped3A, %dma_wait3A_63] : memref<105x96xi32, #tpu.memory_space<vmem>> -> memref<1x96xi32, #tpu.memory_space<vmem>>
      %dma_wait3A_65 = tpu.memref_squeeze %dma_wait3A_64 : memref<1x96xi32, #tpu.memory_space<vmem>> -> memref<96xi32, #tpu.memory_space<vmem>>
      %dma_wait3A_66 = arith.constant 0 : i32
      %dma_wait3A_67 = arith.constant 0 : i32
      %dma_wait3A_68 = tpu.memref_slice %arg10[%dma_wait3A_66, %dma_wait3A_67] : memref<10240x128xf32, #tpu.memory_space<vmem_shared>> -> memref<10240x128xf32, #tpu.memory_space<vmem_shared>>
      tpu.wait_indirect_dma semaphore(%run_scoped3A_56 : memref<!tpu.dma_semaphore, #tpu.memory_space<semaphore_mem>>) src(%arg8 : memref<96x128xf32, #tpu.memory_space<vmem>>) dst(%dma_wait3A_68 : memref<10240x128xf32, #tpu.memory_space<vmem_shared>>)
      tpu.yield
    }) : () -> ()
    %barrier3A_51 = arith.constant 0 : index
    tpu.barrier barrier_id(%barrier3A_51)
    %mul3A_52 = arith.constant 640 : i32
    %mul3A_53 = arith.muli %arg1, %mul3A_52 : i32
    %mul3A_54 = arith.constant 640 : i32
    %mul3A_55 = arith.muli %arg1, %mul3A_54 : i32
    "tpu.region"() ({
      %run_scoped3A_56 = tpu.sem_alloc : memref<!tpu.dma_semaphore, #tpu.memory_space<semaphore_mem>>
      %dma_start3A_57 = arith.constant 0 : i32
      %dma_start3A_58 = tpu.memref_slice %arg5[%arg0, %mul3A_55, %dma_start3A_57] : memref<2x10240x128xf32, #tpu.memory_space<hbm>> -> memref<1x640x128xf32, #tpu.memory_space<hbm>>
      %dma_start3A_59 = tpu.memref_squeeze %dma_start3A_58 : memref<1x640x128xf32, #tpu.memory_space<hbm>> -> memref<640x128xf32, #tpu.memory_space<hbm>>
      %dma_start3A_60 = arith.constant 0 : i32
      %dma_start3A_61 = tpu.memref_slice %arg10[%mul3A_53, %dma_start3A_60] : memref<10240x128xf32, #tpu.memory_space<vmem_shared>> -> memref<640x128xf32, #tpu.memory_space<vmem_shared>>
      tpu.enqueue_dma source(%dma_start3A_61 : memref<640x128xf32, #tpu.memory_space<vmem_shared>>) target(%dma_start3A_59 : memref<640x128xf32, #tpu.memory_space<hbm>>) target_semaphore(%run_scoped3A_56 : memref<!tpu.dma_semaphore, #tpu.memory_space<semaphore_mem>>)
      %dma_wait3A_62 = arith.constant 0 : i32
      %dma_wait3A_63 = tpu.memref_slice %arg5[%arg0, %mul3A_55, %dma_wait3A_62] : memref<2x10240x128xf32, #tpu.memory_space<hbm>> -> memref<1x640x128xf32, #tpu.memory_space<hbm>>
      %dma_wait3A_64 = tpu.memref_squeeze %dma_wait3A_63 : memref<1x640x128xf32, #tpu.memory_space<hbm>> -> memref<640x128xf32, #tpu.memory_space<hbm>>
      %dma_wait3A_65 = arith.constant 0 : i32
      %dma_wait3A_66 = tpu.memref_slice %arg10[%mul3A_53, %dma_wait3A_65] : memref<10240x128xf32, #tpu.memory_space<vmem_shared>> -> memref<640x128xf32, #tpu.memory_space<vmem_shared>>
      tpu.wait_dma2 semaphore(%run_scoped3A_56 : memref<!tpu.dma_semaphore, #tpu.memory_space<semaphore_mem>>) src(%dma_wait3A_66 : memref<640x128xf32, #tpu.memory_space<vmem_shared>>) dst(%dma_wait3A_64 : memref<640x128xf32, #tpu.memory_space<hbm>>)
      tpu.yield
    }) : () -> ()
    return
  }
}

module attributes {stable_mosaic.version = 14 : i64} {
  func.func @_dinv_body(%arg0: memref<32x10240xf32, #tpu.memory_space<vmem>>, %arg1: memref<10000x1xf32, #tpu.memory_space<vmem>>) attributes {dimension_semantics = [], scalar_prefetch = 0 : i64, scratch_operands = 0 : i64, tpu.core_type = #tpu.core_type<tc>} {
    %get3A = arith.constant 0 : index
    %get3A_0 = arith.constant 0 : index
    %get3A_1 = vector.load %arg0[%get3A, %get3A_0] : memref<32x10240xf32, #tpu.memory_space<vmem>>, vector<32x10240xf32>
    %reduce_sum3A = arith.constant dense<0.000000e+00> : vector<10240xf32>
    %reduce_sum3A_2 = vector.multi_reduction <add>, %get3A_1, %reduce_sum3A [0] : vector<32x10240xf32> to vector<10240xf32>
    %add3A = arith.constant 1.000000e+00 : f32
    %add3A_3 = vector.broadcast %add3A : f32 to vector<10240xf32>
    %add3A_4 = arith.addf %reduce_sum3A_2, %add3A_3 : vector<10240xf32>
    %rsqrt3A = math.rsqrt %add3A_4 : vector<10240xf32>
    %slice3A = vector.extract_strided_slice %rsqrt3A {offsets = [0], sizes = [10000], strides = [1]} : vector<10240xf32> to vector<10000xf32>
    %broadcast_in_dim3A = vector.shape_cast %slice3A : vector<10000xf32> to vector<10000x1xf32>
    %swap3A = arith.constant 0 : index
    %swap3A_5 = arith.constant 0 : index
    %swap3A_6 = vector.load %arg1[%swap3A, %swap3A_5] : memref<10000x1xf32, #tpu.memory_space<vmem>>, vector<10000x1xf32>
    tpu.vector_store %arg1[%swap3A, %swap3A_5], %broadcast_in_dim3A {strides = array<i32>} : memref<10000x1xf32, #tpu.memory_space<vmem>>, vector<10000x1xf32>,
    return
  }
}

module attributes {stable_mosaic.version = 14 : i64} {
  func.func @_mm1_body(%arg0: i32, %arg1: memref<400x128xf32, #tpu.memory_space<vmem>>, %arg2: memref<128x128xf32, #tpu.memory_space<vmem>>, %arg3: memref<400x1xf32, #tpu.memory_space<vmem>>, %arg4: memref<400x128xf32, #tpu.memory_space<vmem>>) attributes {dimension_semantics = [#tpu.dimension_semantics<arbitrary>], iteration_bounds = array<i64: 25>, scalar_prefetch = 0 : i64, scratch_operands = 0 : i64, tpu.core_type = #tpu.core_type<tc>, window_params = [{transform_indices = @transform_0, window_bounds = array<i64: 400, 128>}, {pipeline_mode = #tpu.pipeline_mode<synchronous>, transform_indices = @transform_1, window_bounds = array<i64: 128, 128>}, {transform_indices = @transform_2, window_bounds = array<i64: 400, 1>}, {transform_indices = @transform_3, window_bounds = array<i64: 400, 128>}]} {
    %get3A = arith.constant 0 : index
    %get3A_0 = arith.constant 0 : index
    %get3A_1 = vector.load %arg1[%get3A, %get3A_0] : memref<400x128xf32, #tpu.memory_space<vmem>>, vector<400x128xf32>
    %get3A_2 = arith.constant 0 : index
    %get3A_3 = arith.constant 0 : index
    %get3A_4 = vector.load %arg2[%get3A_2, %get3A_3] : memref<128x128xf32, #tpu.memory_space<vmem>>, vector<128x128xf32>
    %dot_general3A = arith.constant dense<0.000000e+00> : vector<400x128xf32>
    %dot_general3A_5 = tpu.matmul %get3A_1, %get3A_4, %dot_general3A {dimension_numbers = #tpu.dot_dimension_numbers<[1], [0], [0], [1], [0, 0, 1, 1], [], []>, transpose_lhs_hint = false} : vector<400x128xf32>, vector<128x128xf32>, vector<400x128xf32> -> vector<400x128xf32>
    %get3A_6 = arith.constant 0 : index
    %get3A_7 = arith.constant 0 : index
    %get3A_8 = vector.load %arg3[%get3A_6, %get3A_7] : memref<400x1xf32, #tpu.memory_space<vmem>>, vector<400x1xf32>
    %mul3A = vector.broadcast %get3A_8 : vector<400x1xf32> to vector<400x128xf32>
    %mul3A_9 = arith.mulf %dot_general3A_5, %mul3A : vector<400x128xf32>
    %swap3A = arith.constant 0 : index
    %swap3A_10 = arith.constant 0 : index
    %swap3A_11 = vector.load %arg4[%swap3A, %swap3A_10] : memref<400x128xf32, #tpu.memory_space<vmem>>, vector<400x128xf32>
    tpu.vector_store %arg4[%swap3A, %swap3A_10], %mul3A_9 {strides = array<i32>} : memref<400x128xf32, #tpu.memory_space<vmem>>, vector<400x128xf32>,
    return
  }
  func.func @transform_0(%arg0: i32) -> (i32, i32) {
    %c0_i32 = arith.constant 0 : i32
    %c0_i32_0 = arith.constant 0 : i32
    return %arg0, %c0_i32 : i32, i32
  }
  func.func @transform_1(%arg0: i32) -> (i32, i32) {
    %c0_i32 = arith.constant 0 : i32
    %c0_i32_0 = arith.constant 0 : i32
    %c0_i32_1 = arith.constant 0 : i32
    return %c0_i32, %c0_i32_0 : i32, i32
  }
  func.func @transform_2(%arg0: i32) -> (i32, i32) {
    %c0_i32 = arith.constant 0 : i32
    %c0_i32_0 = arith.constant 0 : i32
    return %arg0, %c0_i32 : i32, i32
  }
  func.func @transform_3(%arg0: i32) -> (i32, i32) {
    %c0_i32 = arith.constant 0 : i32
    %c0_i32_0 = arith.constant 0 : i32
    return %arg0, %c0_i32 : i32, i32
  }
}

module attributes {stable_mosaic.version = 14 : i64} {
  func.func @_mid_body(%arg0: i32, %arg1: memref<2x400x128xf32, #tpu.memory_space<vmem>>, %arg2: memref<400x128xf32, #tpu.memory_space<vmem>>, %arg3: memref<400x1xf32, #tpu.memory_space<vmem>>, %arg4: memref<1x128xf32, #tpu.memory_space<vmem>>, %arg5: memref<128x128xf32, #tpu.memory_space<vmem>>, %arg6: memref<400x128xf32, #tpu.memory_space<vmem>>) attributes {dimension_semantics = [#tpu.dimension_semantics<arbitrary>], iteration_bounds = array<i64: 25>, scalar_prefetch = 0 : i64, scratch_operands = 0 : i64, tpu.core_type = #tpu.core_type<tc>, window_params = [{transform_indices = @transform_0, window_bounds = array<i64: 2, 400, 128>}, {transform_indices = @transform_1, window_bounds = array<i64: 400, 128>}, {transform_indices = @transform_2, window_bounds = array<i64: 400, 1>}, {pipeline_mode = #tpu.pipeline_mode<synchronous>, transform_indices = @transform_3, window_bounds = array<i64: 1, 128>}, {pipeline_mode = #tpu.pipeline_mode<synchronous>, transform_indices = @transform_4, window_bounds = array<i64: 128, 128>}, {transform_indices = @transform_5, window_bounds = array<i64: 400, 128>}]} {
    %get3A = arith.constant 0 : index
    %get3A_0 = arith.constant 0 : index
    %get3A_1 = arith.constant 0 : index
    %get3A_2 = vector.load %arg1[%get3A, %get3A_0, %get3A_1] : memref<2x400x128xf32, #tpu.memory_space<vmem>>, vector<1x400x128xf32>
    %get3A_3 = vector.shape_cast %get3A_2 : vector<1x400x128xf32> to vector<400x128xf32>
    %get3A_4 = arith.constant 1 : index
    %get3A_5 = arith.constant 0 : index
    %get3A_6 = arith.constant 0 : index
    %get3A_7 = vector.load %arg1[%get3A_4, %get3A_5, %get3A_6] : memref<2x400x128xf32, #tpu.memory_space<vmem>>, vector<1x400x128xf32>
    %get3A_8 = vector.shape_cast %get3A_7 : vector<1x400x128xf32> to vector<400x128xf32>
    %add3A = arith.addf %get3A_3, %get3A_8 : vector<400x128xf32>
    %get3A_9 = arith.constant 0 : index
    %get3A_10 = arith.constant 0 : index
    %get3A_11 = vector.load %arg2[%get3A_9, %get3A_10] : memref<400x128xf32, #tpu.memory_space<vmem>>, vector<400x128xf32>
    %add3A_12 = arith.addf %add3A, %get3A_11 : vector<400x128xf32>
    %get3A_13 = arith.constant 0 : index
    %get3A_14 = arith.constant 0 : index
    %get3A_15 = vector.load %arg3[%get3A_13, %get3A_14] : memref<400x1xf32, #tpu.memory_space<vmem>>, vector<400x1xf32>
    %mul3A = vector.broadcast %get3A_15 : vector<400x1xf32> to vector<400x128xf32>
    %mul3A_16 = arith.mulf %add3A_12, %mul3A : vector<400x128xf32>
    %get3A_17 = arith.constant 0 : index
    %get3A_18 = arith.constant 0 : index
    %get3A_19 = vector.load %arg4[%get3A_17, %get3A_18] : memref<1x128xf32, #tpu.memory_space<vmem>>, vector<1x128xf32>
    %add3A_20 = vector.broadcast %get3A_19 : vector<1x128xf32> to vector<400x128xf32>
    %add3A_21 = arith.addf %mul3A_16, %add3A_20 : vector<400x128xf32>
    %max3A = arith.constant 0.000000e+00 : f32
    %max3A_22 = vector.broadcast %max3A : f32 to vector<400x128xf32>
    %max3A_23 = arith.maximumf %add3A_21, %max3A_22 : vector<400x128xf32>
    %get3A_24 = arith.constant 0 : index
    %get3A_25 = arith.constant 0 : index
    %get3A_26 = vector.load %arg5[%get3A_24, %get3A_25] : memref<128x128xf32, #tpu.memory_space<vmem>>, vector<128x128xf32>
    %dot_general3A = arith.constant dense<0.000000e+00> : vector<400x128xf32>
    %dot_general3A_27 = tpu.matmul %max3A_23, %get3A_26, %dot_general3A {dimension_numbers = #tpu.dot_dimension_numbers<[1], [0], [0], [1], [0, 0, 1, 1], [], []>, transpose_lhs_hint = false} : vector<400x128xf32>, vector<128x128xf32>, vector<400x128xf32> -> vector<400x128xf32>
    %get3A_28 = arith.constant 0 : index
    %get3A_29 = arith.constant 0 : index
    %get3A_30 = vector.load %arg3[%get3A_28, %get3A_29] : memref<400x1xf32, #tpu.memory_space<vmem>>, vector<400x1xf32>
    %mul3A_31 = vector.broadcast %get3A_30 : vector<400x1xf32> to vector<400x128xf32>
    %mul3A_32 = arith.mulf %dot_general3A_27, %mul3A_31 : vector<400x128xf32>
    %swap3A = arith.constant 0 : index
    %swap3A_33 = arith.constant 0 : index
    %swap3A_34 = vector.load %arg6[%swap3A, %swap3A_33] : memref<400x128xf32, #tpu.memory_space<vmem>>, vector<400x128xf32>
    tpu.vector_store %arg6[%swap3A, %swap3A_33], %mul3A_32 {strides = array<i32>} : memref<400x128xf32, #tpu.memory_space<vmem>>, vector<400x128xf32>,
    return
  }
  func.func @transform_0(%arg0: i32) -> (i32, i32, i32) {
    %c0_i32 = arith.constant 0 : i32
    %c0_i32_0 = arith.constant 0 : i32
    %c0_i32_1 = arith.constant 0 : i32
    return %c0_i32, %arg0, %c0_i32_0 : i32, i32, i32
  }
  func.func @transform_1(%arg0: i32) -> (i32, i32) {
    %c0_i32 = arith.constant 0 : i32
    %c0_i32_0 = arith.constant 0 : i32
    return %arg0, %c0_i32 : i32, i32
  }
  func.func @transform_2(%arg0: i32) -> (i32, i32) {
    %c0_i32 = arith.constant 0 : i32
    %c0_i32_0 = arith.constant 0 : i32
    return %arg0, %c0_i32 : i32, i32
  }
  func.func @transform_3(%arg0: i32) -> (i32, i32) {
    %c0_i32 = arith.constant 0 : i32
    %c0_i32_0 = arith.constant 0 : i32
    %c0_i32_1 = arith.constant 0 : i32
    return %c0_i32, %c0_i32_0 : i32, i32
  }
  func.func @transform_4(%arg0: i32) -> (i32, i32) {
    %c0_i32 = arith.constant 0 : i32
    %c0_i32_0 = arith.constant 0 : i32
    %c0_i32_1 = arith.constant 0 : i32
    return %c0_i32, %c0_i32_0 : i32, i32
  }
  func.func @transform_5(%arg0: i32) -> (i32, i32) {
    %c0_i32 = arith.constant 0 : i32
    %c0_i32_0 = arith.constant 0 : i32
    return %arg0, %c0_i32 : i32, i32
  }
}

module attributes {stable_mosaic.version = 14 : i64} {
  func.func @_fin_body(%arg0: i32, %arg1: memref<2x400x128xf32, #tpu.memory_space<vmem>>, %arg2: memref<400x128xf32, #tpu.memory_space<vmem>>, %arg3: memref<400x1xf32, #tpu.memory_space<vmem>>, %arg4: memref<1x128xf32, #tpu.memory_space<vmem>>, %arg5: memref<400x128xf32, #tpu.memory_space<vmem>>) attributes {dimension_semantics = [#tpu.dimension_semantics<arbitrary>], iteration_bounds = array<i64: 25>, scalar_prefetch = 0 : i64, scratch_operands = 0 : i64, tpu.core_type = #tpu.core_type<tc>, window_params = [{transform_indices = @transform_0, window_bounds = array<i64: 2, 400, 128>}, {transform_indices = @transform_1, window_bounds = array<i64: 400, 128>}, {transform_indices = @transform_2, window_bounds = array<i64: 400, 1>}, {pipeline_mode = #tpu.pipeline_mode<synchronous>, transform_indices = @transform_3, window_bounds = array<i64: 1, 128>}, {transform_indices = @transform_4, window_bounds = array<i64: 400, 128>}]} {
    %get3A = arith.constant 0 : index
    %get3A_0 = arith.constant 0 : index
    %get3A_1 = arith.constant 0 : index
    %get3A_2 = vector.load %arg1[%get3A, %get3A_0, %get3A_1] : memref<2x400x128xf32, #tpu.memory_space<vmem>>, vector<1x400x128xf32>
    %get3A_3 = vector.shape_cast %get3A_2 : vector<1x400x128xf32> to vector<400x128xf32>
    %get3A_4 = arith.constant 1 : index
    %get3A_5 = arith.constant 0 : index
    %get3A_6 = arith.constant 0 : index
    %get3A_7 = vector.load %arg1[%get3A_4, %get3A_5, %get3A_6] : memref<2x400x128xf32, #tpu.memory_space<vmem>>, vector<1x400x128xf32>
    %get3A_8 = vector.shape_cast %get3A_7 : vector<1x400x128xf32> to vector<400x128xf32>
    %add3A = arith.addf %get3A_3, %get3A_8 : vector<400x128xf32>
    %get3A_9 = arith.constant 0 : index
    %get3A_10 = arith.constant 0 : index
    %get3A_11 = vector.load %arg2[%get3A_9, %get3A_10] : memref<400x128xf32, #tpu.memory_space<vmem>>, vector<400x128xf32>
    %add3A_12 = arith.addf %add3A, %get3A_11 : vector<400x128xf32>
    %get3A_13 = arith.constant 0 : index
    %get3A_14 = arith.constant 0 : index
    %get3A_15 = vector.load %arg3[%get3A_13, %get3A_14] : memref<400x1xf32, #tpu.memory_space<vmem>>, vector<400x1xf32>
    %mul3A = vector.broadcast %get3A_15 : vector<400x1xf32> to vector<400x128xf32>
    %mul3A_16 = arith.mulf %add3A_12, %mul3A : vector<400x128xf32>
    %get3A_17 = arith.constant 0 : index
    %get3A_18 = arith.constant 0 : index
    %get3A_19 = vector.load %arg4[%get3A_17, %get3A_18] : memref<1x128xf32, #tpu.memory_space<vmem>>, vector<1x128xf32>
    %add3A_20 = vector.broadcast %get3A_19 : vector<1x128xf32> to vector<400x128xf32>
    %add3A_21 = arith.addf %mul3A_16, %add3A_20 : vector<400x128xf32>
    %swap3A = arith.constant 0 : index
    %swap3A_22 = arith.constant 0 : index
    %swap3A_23 = vector.load %arg5[%swap3A, %swap3A_22] : memref<400x128xf32, #tpu.memory_space<vmem>>, vector<400x128xf32>
    tpu.vector_store %arg5[%swap3A, %swap3A_22], %add3A_21 {strides = array<i32>} : memref<400x128xf32, #tpu.memory_space<vmem>>, vector<400x128xf32>,
    return
  }
  func.func @transform_0(%arg0: i32) -> (i32, i32, i32) {
    %c0_i32 = arith.constant 0 : i32
    %c0_i32_0 = arith.constant 0 : i32
    %c0_i32_1 = arith.constant 0 : i32
    return %c0_i32, %arg0, %c0_i32_0 : i32, i32, i32
  }
  func.func @transform_1(%arg0: i32) -> (i32, i32) {
    %c0_i32 = arith.constant 0 : i32
    %c0_i32_0 = arith.constant 0 : i32
    return %arg0, %c0_i32 : i32, i32
  }
  func.func @transform_2(%arg0: i32) -> (i32, i32) {
    %c0_i32 = arith.constant 0 : i32
    %c0_i32_0 = arith.constant 0 : i32
    return %arg0, %c0_i32 : i32, i32
  }
  func.func @transform_3(%arg0: i32) -> (i32, i32) {
    %c0_i32 = arith.constant 0 : i32
    %c0_i32_0 = arith.constant 0 : i32
    %c0_i32_1 = arith.constant 0 : i32
    return %c0_i32, %c0_i32_0 : i32, i32
  }
  func.func @transform_4(%arg0: i32) -> (i32, i32) {
    %c0_i32 = arith.constant 0 : i32
    %c0_i32_0 = arith.constant 0 : i32
    return %arg0, %c0_i32 : i32, i32
  }
}

</mosaic_0001>

<sc_bundles>
// kernel: kernel.12.cloned.1.call-start
scs
__scs_entry_jumppad:
0x0: {  	(pc) =	sbr.rel $0x88, $3  }
0x1: {  	(tag) =	ssettag $0x0;
	lr =	simm.s32 $0x1  }
0x2: {  	[smem:$0x3F9B] =	sst lr;
	_ =	strace $0xD0000000  }
0x3: {  	_ = 	snop  }
0x4: {  	_ = 	snop  }
0x5: {  	_ = 	snop  }
0x6: {  	_ = 	snop  }
0x7: {  	_ = 	snop  }
__scs_overlays_trampoline_lowered:
0x8: {  	[smem:$0x3FAA] =	sst s0  }
0x9: {  	[smem:$0x3FAB] =	sst s1  }
0xa: {  	[smem:$0x3FAC] =	sst s2  }
0xb: {  	[smem:$0x3FAD] =	sst s3  }
0xc: {  	[smem:$0x3FAE] =	sst s4  }
0xd: {  	[smem:$0x3FAF] =	sst s5  }
0xe: {  	[smem:$0x3FB0] =	sst s6  }
0xf: {  	[smem:$0x3FB1] =	sst s7  }
0x10: {  	[smem:$0x3FB2] =	sst s8  }
0x11: {  	[smem:$0x3FB3] =	sst s9;
	s0 =	simm.s32 @!p0 $0x0  }
0x12: {  	s1 =	sld [smem:$0x3F99];
	s0 =	simm.s32 @p0 $0x1  }
0x13: {  	[smem:$0x3FB4] =	sst s0;
	s0 =	simm.s32 @!p1 $0x0  }
0x14: {  	s2 =	sld [smem:$0x3F98];
	s0 =	simm.s32 @p1 $0x1  }
0x15: {  	[smem:$0x3FB5] =	sst s0;
	s0 =	simm.s32 @!p2 $0x0  }
0x16: {  	s3 =	sld [smem:$0x3FDB];
	s0 =	simm.s32 @p2 $0x1  }
0x17: {  	s4 =	simm.s32 $0x1BF5;
	[smem:$0x3FB7] =	sst s0  }
0x18: {  	s0 =	sld [smem:$0x3F9A];
	_ =	swait.ge [sflag:s4], $0x0  }
0x19: {  	s7 =	sld [smem:$0x3F9B]  }
0x1a: {  	s8 =	sadd.s32 $0xFFFFE003, lr  }
0x1b: {  	s9 =	sadd.s32 $0xFFFFFEF7, lr;
	s5 =	simm.s32 $0xFFFFFFFF;
	p2 =	slt.u32 s8, $0xFFFFF086  }
0x1c: {  	p1 =	slt.u32 s9, $0xF7A;
	s5 =	simm.s32 @!p2 $0x0  }
0x1d: {  	s5 =	simm.s32 @p1 $0x1;
	p0 =	seq.s32 s7, s2  }
0x1e: {  	s7 =	smul.u32 @!p0 $0xF7A, s2;
	p2 =	seq.s32 @!p0 s5, $0x0  }
0x1f: {  	s9 =	smul.u32 $0xF7A, s1;
	s8 =	simm.s32 @!p0 $0x1BF5;
	p2 =	por !p2, p0  }
0x20: {  	[sflag:s8] =	ssyncset.s32 @!p0 $0xFFFFF086;
	s6 =	sadd.s32 @!p0 s3, s7;
	s7 =	simm.s32 @!p0 $0x108  }
0x21: {  	s3 =	sadd.s32 s3, s9;
	s6 =	sadd.s32 @!p0 $0x88, s6;
	s7 =	simm.s32 @p2 $0x1082  }
0x22: {  	[simem:s7], [sflag:s8] =	dma.local @!p0 [hbm:s6], $0xF7A  }
0x23: {  	s9 =	sor.u32 $0xD0000000, s2;
	s6 =	simm.s32 $0x108;
	_ =	swait.ge @!p0 [sflag:s8], $0x0  }
0x24: {  	s3 =	sadd.s32 $0x88, s3;
	s6 =	simm.s32 @!p1 $0x1082;
	[sflag:s4] =	ssyncset.s32 $0xFFFFF086  }
0x25: {  	[simem:s6], [sflag:s4] =	dma.local [hbm:s3], $0xF7A  }
0x26: {  	[smem:$0x3F9B] =	sst s1;
	(tag) =	ssettag s2;
	_ =	strace s9  }
0x27: {  	s1 =	sld [smem:$0x3FAB]  }
0x28: {  	s2 =	sld [smem:$0x3FAC]  }
0x29: {  	s4 =	sld [smem:$0x3FAE]  }
0x2a: {  	p0 =	seq.s32 s5, $0x0;
	s5 =	sld [smem:$0x3FAF]  }
0x2b: {  	s6 =	sld [smem:$0x3FB0]  }
0x2c: {  	s7 =	sld [smem:$0x3FB1]  }
0x2d: {  	s3 =	simm.s32 $0x108;
	s8 =	sld [smem:$0x3FB2]  }
0x2e: {  	s3 =	simm.s32 @!p0 $0x1082;
	s9 =	sld [smem:$0x3FB3]  }
0x2f: {  	lr =	sadd.s32 s0, s3;
	s0 =	sld [smem:$0x3FAA]  }
0x30: {  	s3 =	sld [smem:$0x3FAD]  }
0x31: {  	[smem:$0x3FB6] =	sst s10  }
0x32: {  	s10 =	sld [smem:$0x3FB4];
	_ =	sdelay $0x3  }
0x33: {  	p0 =	seq.s32 s10, $0x1;
	s10 =	sld [smem:$0x3FB6];
	_ =	sdelay $0x3  }
0x34: {  	[smem:$0x3FB6] =	sst s10  }
0x35: {  	s10 =	sld [smem:$0x3FB5];
	_ =	sdelay $0x3  }
0x36: {  	p1 =	seq.s32 s10, $0x1;
	s10 =	sld [smem:$0x3FB6];
	_ =	sdelay $0x3  }
0x37: {  	[smem:$0x3FB6] =	sst s10  }
0x38: {  	s10 =	sld [smem:$0x3FB7]  }
0x39: {  	_ = 	snop;
	(pc) =	sbr.ind lr, $3  }
0x3a: {  	_ = 	snop  }
0x3b: {  	_ = 	snop  }
0x3c: {  	p2 =	seq.s32 s10, $0x1;
	s10 =	sld [smem:$0x3FB6]  }
0x3d: {  	_ =	shalt  }
0x3e: {  	_ =	shalt  }
0x3f: {  	_ =	shalt  }
0x40: {  	_ =	shalt  }
0x41: {  	_ =	shalt  }
0x42: {  	_ =	shalt  }
0x43: {  	_ =	shalt  }
0x44: {  	_ =	shalt  }
0x45: {  	_ =	shalt  }
0x46: {  	_ =	shalt  }
0x47: {  	_ =	shalt  }
0x48: {  	_ =	shalt  }
0x49: {  	_ =	shalt  }
0x4a: {  	_ =	shalt  }
0x4b: {  	_ =	shalt  }
0x4c: {  	_ =	shalt  }
0x4d: {  	_ =	shalt  }
0x4e: {  	_ =	shalt  }
0x4f: {  	_ =	shalt  }
0x50: {  	_ =	shalt  }
0x51: {  	_ =	shalt  }
0x52: {  	_ =	shalt  }
0x53: {  	_ =	shalt  }
0x54: {  	_ =	shalt  }
0x55: {  	_ =	shalt  }
0x56: {  	_ =	shalt  }
0x57: {  	_ =	shalt  }
0x58: {  	_ =	shalt  }
0x59: {  	_ =	shalt  }
0x5a: {  	_ =	shalt  }
0x5b: {  	_ =	shalt  }
0x5c: {  	_ =	shalt  }
0x5d: {  	_ =	shalt  }
0x5e: {  	_ =	shalt  }
0x5f: {  	_ =	shalt  }
0x60: {  	_ =	shalt  }
0x61: {  	_ =	shalt  }
0x62: {  	_ =	shalt  }
0x63: {  	_ =	shalt  }
0x64: {  	_ =	shalt  }
0x65: {  	_ =	shalt  }
0x66: {  	_ =	shalt  }
0x67: {  	_ =	shalt  }
0x68: {  	_ =	shalt  }
0x69: {  	_ =	shalt  }
0x6a: {  	_ =	shalt  }
0x6b: {  	_ =	shalt  }
0x6c: {  	_ =	shalt  }
0x6d: {  	_ =	shalt  }
0x6e: {  	_ =	shalt  }
0x6f: {  	_ =	shalt  }
0x70: {  	_ =	shalt  }
0x71: {  	_ =	shalt  }
0x72: {  	_ =	shalt  }
0x73: {  	_ =	shalt  }
0x74: {  	_ =	shalt  }
0x75: {  	_ =	shalt  }
0x76: {  	_ =	shalt  }
0x77: {  	_ =	shalt  }
0x78: {  	_ =	shalt  }
0x79: {  	_ =	shalt  }
0x7a: {  	_ =	shalt  }
0x7b: {  	_ =	shalt  }
0x7c: {  	_ =	shalt  }
0x7d: {  	_ =	shalt  }
0x7e: {  	_ =	shalt  }
0x7f: {  	_ =	shalt  }
0x80: {  	_ =	shalt  }
0x81: {  	_ =	shalt  }
0x82: {  	_ =	shalt  }
0x83: {  	_ =	shalt  }
0x84: {  	_ =	shalt  }
0x85: {  	_ =	shalt  }
0x86: {  	_ =	shalt  }
0x87: {  	_ =	shalt  }
.Lfunc_end0:
.L_simem_size_0:
called_computation.1_lowered:
.L_overlay_start_0:
0x88: {  	s2 =	sld [smem:$0x3FD9]  }
0x89: {  	s3 =	sld [smem:$0x3FFE];
	_ =	sdelay $0x1  }
0x8a: {  	s1 =	srdreg.scid  }
0x8b: {  	s0 =	sand.u32 $0x1, s1  }
0x8c: {  	s17 =	sshll.u32 s0, $0xA;
	s2 =	sadd.s32 s3, s2  }
0x8d: {  	s2 =	sadd.s32 s2, s17  }
0x8e: {  	[smem:$0x3FC2] =	sst s2  }
0x8f: {  	_ = 	snop  }
0x90: {  	s2 =	sld [smem:$0x3FD0];
	(tm) =	ssettm $0x1  }
0x91: {  	s18 =	sld [smem:$0x3FFB];
	_ =	sdelay $0x3  }
0x92: {  	_ =	strace s18  }
0x93: {  	s3 =	sld [smem:$0x3FFC];
	_ =	sdelay $0x3  }
0x94: {  	_ =	strace s3  }
0x95: {  	s3 =	sld [smem:$0x3FFD];
	_ =	sdelay $0x3  }
0x96: {  	_ =	strace s3  }
0x97: {  	_ =	strace $0x8FFFFFFF  }
0x98: {  	s19 =	sld [smem:$0x3FDB];
	_ =	sdelay $0x1  }
0x99: {  	s4 =	simm.s32 $_scs_section_size  }
0x9a: {  	s5 =	simm.s32 $_size__tile_overlayer_lowered;
	s6 =	simm.s32 $_tile_overlayer_lowered  }
0x9b: {  	s22 =	simm.s32 $0x1BFF;
	s21 =	sshll.u32 s6, $0x1;
	s3 =	sadd.s32 s4, s19  }
0x9c: {  	s7 =	simm.s32 $0x0;
	s20 =	sshll.u32 s5, $0x1;
	s5 =	sadd.s32 s21, s3  }
0x9d: {  	[timem:s7], [sflag:s22] =	dma.local [hbm:s5], s20  }
0x9e: {  	_ =	swait.ge [sflag:s22], s20  }
0x9f: {  	s4 =	ssub.s32 $0x0, s20;
	[sflag:s22] =	ssyncset.done $0x0  }
0xa0: {  	[sflag:s22] =	ssyncadd.s32 s4;
	_ =	sdelay $0x1  }
0xa1: {  	s23 =	simm.s32 $0x1B8B  }
0xa2: {  	_ =	swait.ge [sflag:s23], $0x1  }
0xa3: {  	[sflag:s23] =	ssyncset.done $0x0  }
0xa4: {  	s25 =	simm.s32 $0x1B8E;
	s24 =	sld [smem:$0x3FFE];
	[sflag:s23] =	ssyncadd.s32 $0xFFFFFFFF  }
0xa5: {  	s26 =	simm.s32 $execute0_lowered;
	[smem:$0x3FD2] =	sst s25  }
0xa6: {  	s5 =	sshll.u32 s26, $0x1;
	_ =	strace $0x80000049;
	[dreg:$0x1] =	wrdreg $0xFFFFFFFF  }
0xa7: {  	s28 =	simm.s32 $_size_execute0_lowered;
	s3 =	sadd.s32 s3, s5;
	[dreg:$0x0] =	wrdreg $0x0  }
0xa8: {  	s5 =	sshll.u32 s28, $0x1;
	[dreg:$0x2] =	wrdreg s3  }
0xa9: {  	[dreg:$0x3] =	wrdreg s5  }
0xaa: {  	[dreg:$0x4] =	wrdreg $0xC0  }
0xab: {  	_ =	task [dreg:s7], $0x5FFFF  }
0xac: {  	[dreg:$0x1] =	wrdreg $0xFFFFFFFF  }
0xad: {  	[dreg:$0x0] =	wrdreg $0x60  }
0xae: {  	[dreg:$0x2] =	wrdreg s24  }
0xaf: {  	[dreg:$0x3] =	wrdreg s2  }
0xb0: {  	[dreg:$0x4] =	wrdreg $0xBF800  }
0xb1: {  	[dreg:$0x5] =	wrdreg $0x9  }
0xb2: {  	_ =	task.clear_ibuf [dreg:s7], $0x6FFFF;
	_ =	strace $0x90000049  }
0xb3: {  	s29 =	simm.s32 $0x9;
	_ =	strace $0x8000004B  }
0xb4: {  	_ =	swait.ge [sflag:s29], $0x1  }
0xb5: {  	[sflag:s29] =	ssyncadd.s32 $0xFFFFFFFF  }
0xb6: {  	_ =	strace $0x9000004B  }
0xb7: {  	_ =	sfence  }
0xb8: {  	s30 =	sld [smem:$0x0];
	_ =	sdelay $0x2  }
0xb9: {  	s31 =	sshll.u32 s1, $0xD;
	s1 =	sshrl.u32 s1, $0x2  }
0xba: {  	s3 =	sand.u32 $0x4000, s31;
	s1 =	sadd.s32 s1, s30  }
0xbb: {  	s0 =	sor.u32 s3, s0;
	s1 =	sshll.u32 s1, $0x11  }
0xbc: {  	s0 =	sor.u32 s1, s0  }
0xbd: {  	s0 =	sadd.s32 $0x8F2B, s0  }
0xbe: {  	[sflag:s0] =	ssyncadd.remote.s32 $0x1  }
0xbf: {  	_ =	sfence.sel $0xFFFF  }
0xc0: {  	[dreg:$0x0] =	wrdreg $0xFFFFFFFF;
	(pc) =	sbr.abs _section_cstart, $3  }
0xc1: {  	[dreg:$0x1] =	wrdreg $0xFFFFFFFF  }
0xc2: {  	_ =	task.clear_ibuf [dreg:s7], $0x2FFFF;
	_ =	strace $0x9FFFFFFF  }
0xc3: {  	(tm) =	ssettm $0x7FFFFFFF  }
tec
execute0_lowered:
.L_overlay_start_1:
0x0: {  	(tag) =	ssettag $0x1  }
0x1: {  	s6 =	rddreg [dreg:$0x0]  }
0x2: {  	s0 =	srdreg.scid;
	s2 =	rddreg [dreg:$0x1]  }
0x3: {  	s25 =	stileid.u32;
	s3 =	rddreg [dreg:$0x2]  }
0x4: {  	s17 =	simm.s32 $0x80;
	s18 =	simm.s32 $0x400;
	s19 =	simm.s32 $0x3  }
0x5: {  	s20 =	simm.s32 $0x2780;
	s21 =	simm.s32 $0x5F80;
	s22 =	simm.s32 $0x60  }
0x6: {  	s23 =	simm.s32 $0x8F80;
	s24 =	simm.s32 $0x1;
	s28 =	simm.s32 $0x0  }
0x7: {  	s5 =	sand.u32 $0x1, s0;
	s9 =	sshll.u32 s25, $0x7;
	s26 =	smul.u32 $0x14000, s25  }
0x8: {  	s29 =	smul.u32 $0x50000, s25;
	s1 =	sshll.u32 s5, $0x4;
	s9 =	sand.u32 $0x380, s9  }
0x9: {  	s10 =	smul.u32 $0x140000, s5;
	s5 =	ssub.s32 $0x2, s5;
	s7 =	sor.u32 s25, s1  }
0xa: {  	s30 =	sshrl.u32 s5, $0x1;
	s4 =	sshrl.u32 s7, $0x3;
	s7 =	smul.u32 $0x700, s7  }
0xb: {  	s31 =	sshrl.u32 s29, $0x2;
	s16 =	ssub.s32 s5, s30;
	s8 =	smul.u32 $0x13C00, s4  }
0xc: {  	s25 =	simm.s32 $0x2;
	s4 =	simm.s32 $0x0;
	s16 =	smax.u32 s16, $0x1  }
0xd: {  	[smem:$0x7FF] =	sst s4;
	s7 =	sadd.s32 s7, s6;
	s8 =	sor.u32 s9, s8  }
0xe: {  	_ =	strace $0x8000004A;
	s9 =	sadd.s32 s26, s10;
	s7 =	sadd.s32 $0xBC00, s7  }
0xf: {  	s26 =	simm.s32 $0x5B80;
	s8 =	sshrl.u32 s8, $0x3;
	s9 =	sshrl.u32 s9, $0x3  }
0x10: {  	s8 =	sadd.s32 s8, s6;
	s15 =	sadd.s32 s9, s6;
	s6 =	sadd.s32 s31, s3  }
0x11: {  	s5 =	sadd.s32 $0x19C00, s8;
	s8 =	sadd.s32 $0x2800, s6;
	s9 =	sadd.s32 $0x5000, s6  }
0x12: {  	s10 =	sadd.s32 $0x7800, s6;
	s11 =	sadd.s32 $0xA000, s6;
	s12 =	sadd.s32 $0xC800, s6  }
0x13: {  	v0 =	vimm.f32 $0.0e+00;
	s13 =	sadd.s32 $0xF000, s6;
	s14 =	sadd.s32 $0x11800, s6;
	s15 =	sadd.s32 $0x23A00, s15  }
.LBB2_1:
0x14: {  	[tilespmem:s4], [sflag:$0x3] =	stream.strided.gather [hbm4b:s5+s17], $0x2780, s18, s17, $0x38;
	[tilespmem:$0x1FF80] =	vst v63  }
0x15: {  	_ =	swait.ge [sflag:s19], $0x2780  }
0x16: {  	[sflag:s19] =	ssyncset.done $0x0  }
0x17: {  	[sflag:s19] =	ssyncadd.s32 $0xFFFFD880  }
0x18: {  	[tilespmem:s20], [sflag:$0x3] =	stream.linear.gather [hbm4b:s7+s4], $0x3480, $0x38;
	[tilespmem:$0x1FF80] =	vst v63  }
0x19: {  	_ =	swait.ge [sflag:s19], $0x3480  }
0x1a: {  	[sflag:s19] =	ssyncset.done $0x0  }
0x1b: {  	s29 =	simm.s32 $0x0;
	s30 =	simm.s32 $0x200;
	[sflag:s19] =	ssyncadd.s32 $0xFFFFCB80  }
.LBB2_2:
0x1c: {  	p0 =	sne.s32 s30, $0xBE00;
	[tilespmem:s29+$0x5FF0] =	vst v0  }
0x1d: {  	[tilespmem:s29+$0x5F80] =	vst v0  }
0x1e: {  	[tilespmem:s29+$0x5F90] =	vst v0  }
.Ltmp0:
0x1f: {  	[tilespmem:s29+$0x5FA0] =	vst v0;
	(pc) =	sbr.rel @p0 .LBB2_2-.Ltmp0, $4  }
0x20: {  	[tilespmem:s29+$0x5FB0] =	vst v0  }
0x21: {  	[tilespmem:s29+$0x5FC0] =	vst v0  }
0x22: {  	[tilespmem:s29+$0x5FD0] =	vst v0  }
0x23: {  	[tilespmem:s29+$0x5FE0] =	vst v0;
	s29 =	sshra.s32 s30, $0x2;
	s30 =	sadd.s32 $0x200, s30  }
0x24: {  	[tilespmem:s29+$0x5FF0] =	vst v0  }
0x25: {  	[tilespmem:s29+$0x5F80] =	vst v0  }
0x26: {  	[tilespmem:s29+$0x5F90] =	vst v0  }
0x27: {  	[tilespmem:s29+$0x5FA0] =	vst v0  }
0x28: {  	[tilespmem:s29+$0x5FB0] =	vst v0  }
0x29: {  	[tilespmem:s29+$0x5FC0] =	vst v0  }
0x2a: {  	[tilespmem:s29+$0x5FD0] =	vst v0  }
0x2b: {  	[tilespmem:s29+$0x5FE0] =	vst v0  }
0x2c: {  	[spmem:s6] =	stream.linear.scatter [tilespmem:s21], [sflag:$0x3], $0x2800, $0x38;
	[tilespmem:$0x1FF80] =	vst v63  }
0x2d: {  	_ =	swait.ge [sflag:s19], $0x2800  }
0x2e: {  	[sflag:s19] =	ssyncset.done $0x0  }
0x2f: {  	[sflag:s19] =	ssyncadd.s32 $0xFFFFD800  }
0x30: {  	[spmem:s8] =	stream.linear.scatter [tilespmem:s21], [sflag:$0x3], $0x2800, $0x38;
	[tilespmem:$0x1FF80] =	vst v63  }
0x31: {  	_ =	swait.ge [sflag:s19], $0x2800  }
0x32: {  	[sflag:s19] =	ssyncset.done $0x0  }
0x33: {  	[sflag:s19] =	ssyncadd.s32 $0xFFFFD800  }
0x34: {  	[spmem:s9] =	stream.linear.scatter [tilespmem:s21], [sflag:$0x3], $0x2800, $0x38;
	[tilespmem:$0x1FF80] =	vst v63  }
0x35: {  	_ =	swait.ge [sflag:s19], $0x2800  }
0x36: {  	[sflag:s19] =	ssyncset.done $0x0  }
0x37: {  	[sflag:s19] =	ssyncadd.s32 $0xFFFFD800  }
0x38: {  	[spmem:s10] =	stream.linear.scatter [tilespmem:s21], [sflag:$0x3], $0x2800, $0x38;
	[tilespmem:$0x1FF80] =	vst v63  }
0x39: {  	_ =	swait.ge [sflag:s19], $0x2800  }
0x3a: {  	[sflag:s19] =	ssyncset.done $0x0  }
0x3b: {  	[sflag:s19] =	ssyncadd.s32 $0xFFFFD800  }
0x3c: {  	[spmem:s11] =	stream.linear.scatter [tilespmem:s21], [sflag:$0x3], $0x2800, $0x38;
	[tilespmem:$0x1FF80] =	vst v63  }
0x3d: {  	_ =	swait.ge [sflag:s19], $0x2800  }
0x3e: {  	[sflag:s19] =	ssyncset.done $0x0  }
0x3f: {  	[sflag:s19] =	ssyncadd.s32 $0xFFFFD800  }
0x40: {  	[spmem:s12] =	stream.linear.scatter [tilespmem:s21], [sflag:$0x3], $0x2800, $0x38;
	[tilespmem:$0x1FF80] =	vst v63  }
0x41: {  	_ =	swait.ge [sflag:s19], $0x2800  }
0x42: {  	[sflag:s19] =	ssyncset.done $0x0  }
0x43: {  	[sflag:s19] =	ssyncadd.s32 $0xFFFFD800  }
0x44: {  	[spmem:s13] =	stream.linear.scatter [tilespmem:s21], [sflag:$0x3], $0x2800, $0x38;
	[tilespmem:$0x1FF80] =	vst v63  }
0x45: {  	_ =	swait.ge [sflag:s19], $0x2800  }
0x46: {  	[sflag:s19] =	ssyncset.done $0x0  }
0x47: {  	[sflag:s19] =	ssyncadd.s32 $0xFFFFD800  }
0x48: {  	[spmem:s14] =	stream.linear.scatter [tilespmem:s21], [sflag:$0x3], $0x2800, $0x38;
	[tilespmem:$0x1FF80] =	vst v63  }
0x49: {  	_ =	swait.ge [sflag:s19], $0x2800  }
0x4a: {  	[sflag:s19] =	ssyncset.done $0x0  }
0x4b: {  	[sflag:s19] =	ssyncadd.s32 $0xFFFFD800  }
0x4c: {  	s29 =	simm.s32 $0x0;
	[bflag:$0x0] =	sbarrier.arrive $0xFFFF  }
0x4d: {  	[tilespmem:s21], [sflag:$0x1] =	stream.indirect.gather [hbm4b:s2+s22], $0x80, s29, s22, $0xb8;
	[tilespmem:$0x1FF80] =	vst v63  }
0x4e: {  	s29 =	simm.s32 $0x60  }
0x4f: {  	[tilespmem:s23], [sflag:$0x2] =	stream.indirect.gather [hbm4b:s2+s22], $0x80, s29, s22, $0xb8;
	[tilespmem:$0x1FF80] =	vst v63  }
0x50: {  	_ =	swait.ge [sflag:s24], $0x3000  }
0x51: {  	[sflag:s24] =	ssyncset.done $0x0  }
0x52: {  	s29 =	simm.s32 $0x2780;
	[sflag:s24] =	ssyncadd.s32 $0xFFFFD000  }
0x53: {  	[spmem:s3] =	stream.indirect.scatter.add.f32 [tilespmem:s21], [sflag:$0x3], $0x80, s29, s22, $0xb8;
	[tilespmem:$0x1FF80] =	vst v63  }
0x54: {  	_ =	swait.ge [sflag:s19], $0x3000  }
0x55: {  	[sflag:s19] =	ssyncset.done $0x0  }
0x56: {  	s29 =	simm.s32 $0xC0;
	[sflag:s19] =	ssyncadd.s32 $0xFFFFD000  }
0x57: {  	[tilespmem:s21], [sflag:$0x1] =	stream.indirect.gather [hbm4b:s2+s22], $0x80, s29, s22, $0xb8;
	[tilespmem:$0x1FF80] =	vst v63  }
0x58: {  	_ =	swait.ge [sflag:s25], $0x3000  }
0x59: {  	[sflag:s25] =	ssyncset.done $0x0  }
0x5a: {  	s29 =	simm.s32 $0x2800;
	[sflag:s25] =	ssyncadd.s32 $0xFFFFD000  }
0x5b: {  	[spmem:s3] =	stream.indirect.scatter.add.f32 [tilespmem:s23], [sflag:$0x3], $0x80, s29, s22, $0xb8;
	[tilespmem:$0x1FF80] =	vst v63  }
0x5c: {  	s30 =	simm.s32 $0x400;
	_ =	swait.ge [sflag:s19], $0x3000  }
0x5d: {  	s31 =	simm.s32 $0x800;
	s29 =	simm.s32 $0x180;
	[sflag:s19] =	ssyncset.done $0x0  }
.LBB2_4:
0x5e: {  	p0 =	sne.s32 s31, $0xCC00;
	s1 =	sadd.s32 $0xFFFFFFA0, s29;
	[sflag:s19] =	ssyncadd.s32 $0xFFFFD000  }
0x5f: {  	[tilespmem:s23], [sflag:$0x2] =	stream.indirect.gather [hbm4b:s2+s22], $0x80, s1, s22, $0xb8;
	[tilespmem:$0x1FF80] =	vst v63  }
0x60: {  	s1 =	smov.u32 s31;
	s31 =	sadd.s32 $0x400, s31;
	_ =	swait.ge [sflag:s24], $0x3000  }
0x61: {  	s0 =	sshra.s32 s30, $0x2;
	s30 =	smov.u32 s1;
	[sflag:s24] =	ssyncset.done $0x0  }
0x62: {  	s1 =	sadd.s32 $0x2780, s0;
	[sflag:s24] =	ssyncadd.s32 $0xFFFFD000  }
0x63: {  	[spmem:s3] =	stream.indirect.scatter.add.f32 [tilespmem:s21], [sflag:$0x3], $0x80, s1, s22, $0xb8;
	[tilespmem:$0x1FF80] =	vst v63  }
0x64: {  	_ =	swait.ge [sflag:s19], $0x3000  }
0x65: {  	[sflag:s19] =	ssyncset.done $0x0  }
0x66: {  	[sflag:s19] =	ssyncadd.s32 $0xFFFFD000  }
0x67: {  	[tilespmem:s21], [sflag:$0x1] =	stream.indirect.gather [hbm4b:s2+s22], $0x80, s29, s22, $0xb8;
	[tilespmem:$0x1FF80] =	vst v63  }
0x68: {  	_ =	swait.ge [sflag:s25], $0x3000  }
.Ltmp1:
0x69: {  	[sflag:s25] =	ssyncset.done $0x0;
	(pc) =	sbr.rel @p0 .LBB2_4-.Ltmp1, $4  }
0x6a: {  	s0 =	sadd.s32 $0x2800, s0;
	[sflag:s25] =	ssyncadd.s32 $0xFFFFD000  }
0x6b: {  	[spmem:s3] =	stream.indirect.scatter.add.f32 [tilespmem:s23], [sflag:$0x3], $0x80, s0, s22, $0xb8;
	[tilespmem:$0x1FF80] =	vst v63  }
0x6c: {  	_ =	swait.ge [sflag:s19], $0x3000  }
0x6d: {  	s29 =	sadd.s32 $0xC0, s29;
	[sflag:s19] =	ssyncset.done $0x0  }
0x6e: {  	s0 =	sadd.s32 $0xFFFFFFA0, s29;
	[sflag:s19] =	ssyncadd.s32 $0xFFFFD000  }
0x6f: {  	[tilespmem:s23], [sflag:$0x2] =	stream.indirect.gather [hbm4b:s2+s22], $0x80, s0, s22, $0xb8;
	[tilespmem:$0x1FF80] =	vst v63  }
0x70: {  	_ =	swait.ge [sflag:s24], $0x3000  }
0x71: {  	s31 =	sshra.s32 s30, $0x2;
	[sflag:s24] =	ssyncset.done $0x0  }
0x72: {  	s1 =	sadd.s32 $0x2780, s31;
	[sflag:s24] =	ssyncadd.s32 $0xFFFFD000  }
0x73: {  	[spmem:s3] =	stream.indirect.scatter.add.f32 [tilespmem:s21], [sflag:$0x3], $0x80, s1, s22, $0xb8;
	[tilespmem:$0x1FF80] =	vst v63  }
0x74: {  	_ =	swait.ge [sflag:s19], $0x3000  }
0x75: {  	[sflag:s19] =	ssyncset.done $0x0  }
0x76: {  	[sflag:s19] =	ssyncadd.s32 $0xFFFFD000  }
0x77: {  	[tilespmem:s21], [sflag:$0x1] =	stream.indirect.gather [hbm4b:s2+s22], $0x80, s29, s22, $0xb8;
	[tilespmem:$0x1FF80] =	vst v63  }
0x78: {  	_ =	swait.ge [sflag:s25], $0x3000  }
0x79: {  	[sflag:s25] =	ssyncset.done $0x0  }
0x7a: {  	s0 =	sadd.s32 $0x2800, s31;
	[sflag:s25] =	ssyncadd.s32 $0xFFFFD000  }
0x7b: {  	[spmem:s3] =	stream.indirect.scatter.add.f32 [tilespmem:s23], [sflag:$0x3], $0x80, s0, s22, $0xb8;
	[tilespmem:$0x1FF80] =	vst v63  }
0x7c: {  	_ =	swait.ge [sflag:s19], $0x3000  }
0x7d: {  	[sflag:s19] =	ssyncset.done $0x0  }
0x7e: {  	[sflag:s19] =	ssyncadd.s32 $0xFFFFD000  }
0x7f: {  	_ =	swait.ge [sflag:s24], $0x3000  }
0x80: {  	[sflag:s24] =	ssyncset.done $0x0  }
0x81: {  	[sflag:s24] =	ssyncadd.s32 $0xFFFFD000  }
0x82: {  	[spmem:s3] =	stream.indirect.scatter.add.f32 [tilespmem:s21], [sflag:$0x3], $0x80, s26, s22, $0xb8;
	[tilespmem:$0x1FF80] =	vst v63  }
0x83: {  	s30 =	stileid.u32;
	_ =	swait.ge [sflag:s19], $0x3000  }
0x84: {  	s28 =	sadd.s32 $0x1, s28;
	s31 =	sshrl.u32 s6, $0x3;
	[sflag:s19] =	ssyncset.done $0x0  }
0x85: {  	p0 =	sne.s32 s28, s16;
	s0 =	sshll.u32 s30, $0x6;
	[sflag:s19] =	ssyncadd.s32 $0xFFFFD000  }
.Ltmp2:
0x86: {  	s0 =	sor.u32 $0x1C03, s0;
	[bflag:$0x0] =	sbarrier.arrive $0xFFFF;
	(pc) =	sbr.rel @p0 .LBB2_1-.Ltmp2, $4  }
0x87: {  	[hbm:s15], [sflag:s0] =	dma.local [spmem:s31], $0x2800  }
0x88: {  	_ =	swait.ge [sflag:s19], $0x2800  }
0x89: {  	[sflag:s19] =	ssyncset.done $0x0  }
0x8a: {  	[sflag:s19] =	ssyncadd.s32 $0xFFFFD800  }
0x8b: {  	_ =	sfence.sel $0x180000  }
0x8c: {  	[bflag:$0x0] =	sbarrier.arrive $0xFFFF  }
0x8d: {  	_ =	strace $0x9000004A  }
0x8e: {  	s0 =	stileid.u32;
	[bflag:$0x2] =	sbarrier.arrive $0xFFFF  }
0x8f: {  	p0 =	sne.s32 s0, $0x0;
	s0 =	rddreg [dreg:$0x3]  }
0x90: {  	s0 =	sadd.s32 @!p0 $0x100000, s0  }
0x91: {  	[sflag:s0] =	ssyncadd.tile.s32 @!p0 $0x1;
	_ =	shalt  }
.Lfunc_end2:
_tile_overlayer_lowered:
.L_overlay_start_2:
0x92: {  	(tag) =	ssettag $0x2  }
0x93: {  	s0 =	rddreg [dreg:$0x0];
	s2 =	stileid.u32  }
0x94: {  	s1 =	rddreg [dreg:$0x1];
	p0 =	sne.s32 s2, $0x0  }
0x95: {  	s3 =	rddreg [dreg:$0x2];
	[bflag:$0x3] =	sbarrier.arrive $0xFFFF;
	s2 =	simm.s32 @!p0 $0x1C03  }
0x96: {  	[timem:s3], [sflag:s2] =	dma.local @!p0 [hbm:s0], s1  }
0x97: {  	s0 =	simm.s32 @!p0 $0x3  }
0x98: {  	_ =	swait.ge @!p0 [sflag:s0], s1  }
0x99: {  	s1 =	ssub.s32 @!p0 $0x0, s1;
	[sflag:s0] =	ssyncset.done @!p0 $0x0  }
0x9a: {  	[sflag:s0] =	ssyncadd.s32 @!p0 s1  }
0x9b: {  	[bflag:$0x3] =	sbarrier.arrive $0xFFFF  }
0x9c: {  	_ =	shalt  }

// kernel: kernel.15.cloned.1.call-start
scs
__scs_entry_jumppad:
0x0: {  	(pc) =	sbr.rel $0x88, $3  }
0x1: {  	(tag) =	ssettag $0x0;
	lr =	simm.s32 $0x1  }
0x2: {  	[smem:$0x3F9B] =	sst lr;
	_ =	strace $0xD0000000  }
0x3: {  	_ = 	snop  }
0x4: {  	_ = 	snop  }
0x5: {  	_ = 	snop  }
0x6: {  	_ = 	snop  }
0x7: {  	_ = 	snop  }
__scs_overlays_trampoline_lowered:
0x8: {  	[smem:$0x3FAA] =	sst s0  }
0x9: {  	[smem:$0x3FAB] =	sst s1  }
0xa: {  	[smem:$0x3FAC] =	sst s2  }
0xb: {  	[smem:$0x3FAD] =	sst s3  }
0xc: {  	[smem:$0x3FAE] =	sst s4  }
0xd: {  	[smem:$0x3FAF] =	sst s5  }
0xe: {  	[smem:$0x3FB0] =	sst s6  }
0xf: {  	[smem:$0x3FB1] =	sst s7  }
0x10: {  	[smem:$0x3FB2] =	sst s8  }
0x11: {  	[smem:$0x3FB3] =	sst s9;
	s0 =	simm.s32 @!p0 $0x0  }
0x12: {  	s1 =	sld [smem:$0x3F99];
	s0 =	simm.s32 @p0 $0x1  }
0x13: {  	[smem:$0x3FB4] =	sst s0;
	s0 =	simm.s32 @!p1 $0x0  }
0x14: {  	s2 =	sld [smem:$0x3F98];
	s0 =	simm.s32 @p1 $0x1  }
0x15: {  	[smem:$0x3FB5] =	sst s0;
	s0 =	simm.s32 @!p2 $0x0  }
0x16: {  	s3 =	sld [smem:$0x3FDB];
	s0 =	simm.s32 @p2 $0x1  }
0x17: {  	s4 =	simm.s32 $0x1BF5;
	[smem:$0x3FB7] =	sst s0  }
0x18: {  	s0 =	sld [smem:$0x3F9A];
	_ =	swait.ge [sflag:s4], $0x0  }
0x19: {  	s7 =	sld [smem:$0x3F9B]  }
0x1a: {  	s8 =	sadd.s32 $0xFFFFE003, lr  }
0x1b: {  	s9 =	sadd.s32 $0xFFFFFEF7, lr;
	s5 =	simm.s32 $0xFFFFFFFF;
	p2 =	slt.u32 s8, $0xFFFFF086  }
0x1c: {  	p1 =	slt.u32 s9, $0xF7A;
	s5 =	simm.s32 @!p2 $0x0  }
0x1d: {  	s5 =	simm.s32 @p1 $0x1;
	p0 =	seq.s32 s7, s2  }
0x1e: {  	s7 =	smul.u32 @!p0 $0xF7A, s2;
	p2 =	seq.s32 @!p0 s5, $0x0  }
0x1f: {  	s9 =	smul.u32 $0xF7A, s1;
	s8 =	simm.s32 @!p0 $0x1BF5;
	p2 =	por !p2, p0  }
0x20: {  	[sflag:s8] =	ssyncset.s32 @!p0 $0xFFFFF086;
	s6 =	sadd.s32 @!p0 s3, s7;
	s7 =	simm.s32 @!p0 $0x108  }
0x21: {  	s3 =	sadd.s32 s3, s9;
	s6 =	sadd.s32 @!p0 $0x88, s6;
	s7 =	simm.s32 @p2 $0x1082  }
0x22: {  	[simem:s7], [sflag:s8] =	dma.local @!p0 [hbm:s6], $0xF7A  }
0x23: {  	s9 =	sor.u32 $0xD0000000, s2;
	s6 =	simm.s32 $0x108;
	_ =	swait.ge @!p0 [sflag:s8], $0x0  }
0x24: {  	s3 =	sadd.s32 $0x88, s3;
	s6 =	simm.s32 @!p1 $0x1082;
	[sflag:s4] =	ssyncset.s32 $0xFFFFF086  }
0x25: {  	[simem:s6], [sflag:s4] =	dma.local [hbm:s3], $0xF7A  }
0x26: {  	[smem:$0x3F9B] =	sst s1;
	(tag) =	ssettag s2;
	_ =	strace s9  }
0x27: {  	s1 =	sld [smem:$0x3FAB]  }
0x28: {  	s2 =	sld [smem:$0x3FAC]  }
0x29: {  	s4 =	sld [smem:$0x3FAE]  }
0x2a: {  	p0 =	seq.s32 s5, $0x0;
	s5 =	sld [smem:$0x3FAF]  }
0x2b: {  	s6 =	sld [smem:$0x3FB0]  }
0x2c: {  	s7 =	sld [smem:$0x3FB1]  }
0x2d: {  	s3 =	simm.s32 $0x108;
	s8 =	sld [smem:$0x3FB2]  }
0x2e: {  	s3 =	simm.s32 @!p0 $0x1082;
	s9 =	sld [smem:$0x3FB3]  }
0x2f: {  	lr =	sadd.s32 s0, s3;
	s0 =	sld [smem:$0x3FAA]  }
0x30: {  	s3 =	sld [smem:$0x3FAD]  }
0x31: {  	[smem:$0x3FB6] =	sst s10  }
0x32: {  	s10 =	sld [smem:$0x3FB4];
	_ =	sdelay $0x3  }
0x33: {  	p0 =	seq.s32 s10, $0x1;
	s10 =	sld [smem:$0x3FB6];
	_ =	sdelay $0x3  }
0x34: {  	[smem:$0x3FB6] =	sst s10  }
0x35: {  	s10 =	sld [smem:$0x3FB5];
	_ =	sdelay $0x3  }
0x36: {  	p1 =	seq.s32 s10, $0x1;
	s10 =	sld [smem:$0x3FB6];
	_ =	sdelay $0x3  }
0x37: {  	[smem:$0x3FB6] =	sst s10  }
0x38: {  	s10 =	sld [smem:$0x3FB7]  }
0x39: {  	_ = 	snop;
	(pc) =	sbr.ind lr, $3  }
0x3a: {  	_ = 	snop  }
0x3b: {  	_ = 	snop  }
0x3c: {  	p2 =	seq.s32 s10, $0x1;
	s10 =	sld [smem:$0x3FB6]  }
0x3d: {  	_ =	shalt  }
0x3e: {  	_ =	shalt  }
0x3f: {  	_ =	shalt  }
0x40: {  	_ =	shalt  }
0x41: {  	_ =	shalt  }
0x42: {  	_ =	shalt  }
0x43: {  	_ =	shalt  }
0x44: {  	_ =	shalt  }
0x45: {  	_ =	shalt  }
0x46: {  	_ =	shalt  }
0x47: {  	_ =	shalt  }
0x48: {  	_ =	shalt  }
0x49: {  	_ =	shalt  }
0x4a: {  	_ =	shalt  }
0x4b: {  	_ =	shalt  }
0x4c: {  	_ =	shalt  }
0x4d: {  	_ =	shalt  }
0x4e: {  	_ =	shalt  }
0x4f: {  	_ =	shalt  }
0x50: {  	_ =	shalt  }
0x51: {  	_ =	shalt  }
0x52: {  	_ =	shalt  }
0x53: {  	_ =	shalt  }
0x54: {  	_ =	shalt  }
0x55: {  	_ =	shalt  }
0x56: {  	_ =	shalt  }
0x57: {  	_ =	shalt  }
0x58: {  	_ =	shalt  }
0x59: {  	_ =	shalt  }
0x5a: {  	_ =	shalt  }
0x5b: {  	_ =	shalt  }
0x5c: {  	_ =	shalt  }
0x5d: {  	_ =	shalt  }
0x5e: {  	_ =	shalt  }
0x5f: {  	_ =	shalt  }
0x60: {  	_ =	shalt  }
0x61: {  	_ =	shalt  }
0x62: {  	_ =	shalt  }
0x63: {  	_ =	shalt  }
0x64: {  	_ =	shalt  }
0x65: {  	_ =	shalt  }
0x66: {  	_ =	shalt  }
0x67: {  	_ =	shalt  }
0x68: {  	_ =	shalt  }
0x69: {  	_ =	shalt  }
0x6a: {  	_ =	shalt  }
0x6b: {  	_ =	shalt  }
0x6c: {  	_ =	shalt  }
0x6d: {  	_ =	shalt  }
0x6e: {  	_ =	shalt  }
0x6f: {  	_ =	shalt  }
0x70: {  	_ =	shalt  }
0x71: {  	_ =	shalt  }
0x72: {  	_ =	shalt  }
0x73: {  	_ =	shalt  }
0x74: {  	_ =	shalt  }
0x75: {  	_ =	shalt  }
0x76: {  	_ =	shalt  }
0x77: {  	_ =	shalt  }
0x78: {  	_ =	shalt  }
0x79: {  	_ =	shalt  }
0x7a: {  	_ =	shalt  }
0x7b: {  	_ =	shalt  }
0x7c: {  	_ =	shalt  }
0x7d: {  	_ =	shalt  }
0x7e: {  	_ =	shalt  }
0x7f: {  	_ =	shalt  }
0x80: {  	_ =	shalt  }
0x81: {  	_ =	shalt  }
0x82: {  	_ =	shalt  }
0x83: {  	_ =	shalt  }
0x84: {  	_ =	shalt  }
0x85: {  	_ =	shalt  }
0x86: {  	_ =	shalt  }
0x87: {  	_ =	shalt  }
.Lfunc_end0:
.L_simem_size_0:
called_computation.2_lowered:
.L_overlay_start_0:
0x88: {  	s2 =	sld [smem:$0x3FD9]  }
0x89: {  	s3 =	sld [smem:$0x3FFE];
	_ =	sdelay $0x1  }
0x8a: {  	s1 =	srdreg.scid  }
0x8b: {  	s0 =	sand.u32 $0x1, s1  }
0x8c: {  	s17 =	sshll.u32 s0, $0xA;
	s2 =	sadd.s32 s3, s2  }
0x8d: {  	s2 =	sadd.s32 s2, s17  }
0x8e: {  	[smem:$0x3FC2] =	sst s2  }
0x8f: {  	_ = 	snop  }
0x90: {  	s2 =	sld [smem:$0x3FD0];
	(tm) =	ssettm $0x1  }
0x91: {  	s18 =	sld [smem:$0x3FFB];
	_ =	sdelay $0x3  }
0x92: {  	_ =	strace s18  }
0x93: {  	s3 =	sld [smem:$0x3FFC];
	_ =	sdelay $0x3  }
0x94: {  	_ =	strace s3  }
0x95: {  	s3 =	sld [smem:$0x3FFD];
	_ =	sdelay $0x3  }
0x96: {  	_ =	strace s3  }
0x97: {  	_ =	strace $0x8FFFFFFF  }
0x98: {  	s19 =	sld [smem:$0x3FDB];
	_ =	sdelay $0x1  }
0x99: {  	s4 =	simm.s32 $_scs_section_size  }
0x9a: {  	s5 =	simm.s32 $_size__tile_overlayer_lowered;
	s6 =	simm.s32 $_tile_overlayer_lowered  }
0x9b: {  	s22 =	simm.s32 $0x1BFF;
	s21 =	sshll.u32 s6, $0x1;
	s3 =	sadd.s32 s4, s19  }
0x9c: {  	s7 =	simm.s32 $0x0;
	s20 =	sshll.u32 s5, $0x1;
	s5 =	sadd.s32 s21, s3  }
0x9d: {  	[timem:s7], [sflag:s22] =	dma.local [hbm:s5], s20  }
0x9e: {  	_ =	swait.ge [sflag:s22], s20  }
0x9f: {  	s4 =	ssub.s32 $0x0, s20;
	[sflag:s22] =	ssyncset.done $0x0  }
0xa0: {  	[sflag:s22] =	ssyncadd.s32 s4;
	_ =	sdelay $0x1  }
0xa1: {  	s23 =	simm.s32 $0x1B8B  }
0xa2: {  	_ =	swait.ge [sflag:s23], $0x1  }
0xa3: {  	[sflag:s23] =	ssyncset.done $0x0  }
0xa4: {  	s25 =	simm.s32 $0x1B8E;
	s24 =	sld [smem:$0x3FFE];
	[sflag:s23] =	ssyncadd.s32 $0xFFFFFFFF  }
0xa5: {  	s26 =	simm.s32 $execute0_lowered;
	[smem:$0x3FD2] =	sst s25  }
0xa6: {  	s5 =	sshll.u32 s26, $0x1;
	_ =	strace $0x8000004C;
	[dreg:$0x1] =	wrdreg $0xFFFFFFFF  }
0xa7: {  	s28 =	simm.s32 $_size_execute0_lowered;
	s3 =	sadd.s32 s3, s5;
	[dreg:$0x0] =	wrdreg $0x0  }
0xa8: {  	s5 =	sshll.u32 s28, $0x1;
	[dreg:$0x2] =	wrdreg s3  }
0xa9: {  	[dreg:$0x3] =	wrdreg s5  }
0xaa: {  	[dreg:$0x4] =	wrdreg $0xC0  }
0xab: {  	_ =	task [dreg:s7], $0x5FFFF  }
0xac: {  	[dreg:$0x1] =	wrdreg $0xFFFFFFFF  }
0xad: {  	[dreg:$0x0] =	wrdreg $0x60  }
0xae: {  	[dreg:$0x2] =	wrdreg s24  }
0xaf: {  	[dreg:$0x3] =	wrdreg s2  }
0xb0: {  	[dreg:$0x4] =	wrdreg $0xBF800  }
0xb1: {  	[dreg:$0x5] =	wrdreg $0x9  }
0xb2: {  	_ =	task.clear_ibuf [dreg:s7], $0x6FFFF;
	_ =	strace $0x9000004C  }
0xb3: {  	s29 =	simm.s32 $0x9;
	_ =	strace $0x8000004E  }
0xb4: {  	_ =	swait.ge [sflag:s29], $0x1  }
0xb5: {  	[sflag:s29] =	ssyncadd.s32 $0xFFFFFFFF  }
0xb6: {  	_ =	strace $0x9000004E  }
0xb7: {  	_ =	sfence  }
0xb8: {  	s30 =	sld [smem:$0x0];
	_ =	sdelay $0x2  }
0xb9: {  	s31 =	sshll.u32 s1, $0xD;
	s1 =	sshrl.u32 s1, $0x2  }
0xba: {  	s3 =	sand.u32 $0x4000, s31;
	s1 =	sadd.s32 s1, s30  }
0xbb: {  	s0 =	sor.u32 s3, s0;
	s1 =	sshll.u32 s1, $0x11  }
0xbc: {  	s0 =	sor.u32 s1, s0  }
0xbd: {  	s0 =	sadd.s32 $0x8F2B, s0  }
0xbe: {  	[sflag:s0] =	ssyncadd.remote.s32 $0x1  }
0xbf: {  	_ =	sfence.sel $0xFFFF  }
0xc0: {  	[dreg:$0x0] =	wrdreg $0xFFFFFFFF;
	(pc) =	sbr.abs _section_cstart, $3  }
0xc1: {  	[dreg:$0x1] =	wrdreg $0xFFFFFFFF  }
0xc2: {  	_ =	task.clear_ibuf [dreg:s7], $0x2FFFF;
	_ =	strace $0x9FFFFFFF  }
0xc3: {  	(tm) =	ssettm $0x7FFFFFFF  }
tec
execute0_lowered:
.L_overlay_start_1:
0x0: {  	(tag) =	ssettag $0x1  }
0x1: {  	s6 =	rddreg [dreg:$0x0]  }
0x2: {  	s0 =	srdreg.scid;
	s2 =	rddreg [dreg:$0x1]  }
0x3: {  	s25 =	stileid.u32;
	s3 =	rddreg [dreg:$0x2]  }
0x4: {  	s17 =	simm.s32 $0x80;
	s18 =	simm.s32 $0x400;
	s19 =	simm.s32 $0x3  }
0x5: {  	s20 =	simm.s32 $0x2780;
	s21 =	simm.s32 $0x5F80;
	s22 =	simm.s32 $0x60  }
0x6: {  	s23 =	simm.s32 $0x8F80;
	s24 =	simm.s32 $0x1;
	s28 =	simm.s32 $0x0  }
0x7: {  	s5 =	sand.u32 $0x1, s0;
	s9 =	sshll.u32 s25, $0x7;
	s26 =	smul.u32 $0x14000, s25  }
0x8: {  	s29 =	smul.u32 $0x50000, s25;
	s1 =	sshll.u32 s5, $0x4;
	s9 =	sand.u32 $0x380, s9  }
0x9: {  	s10 =	smul.u32 $0x140000, s5;
	s5 =	ssub.s32 $0x2, s5;
	s7 =	sor.u32 s25, s1  }
0xa: {  	s30 =	sshrl.u32 s5, $0x1;
	s4 =	sshrl.u32 s7, $0x3;
	s7 =	smul.u32 $0x700, s7  }
0xb: {  	s31 =	sshrl.u32 s29, $0x2;
	s16 =	ssub.s32 s5, s30;
	s8 =	smul.u32 $0x13C00, s4  }
0xc: {  	s25 =	simm.s32 $0x2;
	s4 =	simm.s32 $0x0;
	s16 =	smax.u32 s16, $0x1  }
0xd: {  	[smem:$0x7FF] =	sst s4;
	s7 =	sadd.s32 s7, s6;
	s8 =	sor.u32 s9, s8  }
0xe: {  	_ =	strace $0x8000004D;
	s9 =	sadd.s32 s26, s10;
	s7 =	sadd.s32 $0xBC00, s7  }
0xf: {  	s26 =	simm.s32 $0x5B80;
	s8 =	sshrl.u32 s8, $0x3;
	s9 =	sshrl.u32 s9, $0x3  }
0x10: {  	s8 =	sadd.s32 s8, s6;
	s15 =	sadd.s32 s9, s6;
	s6 =	sadd.s32 s31, s3  }
0x11: {  	s5 =	sadd.s32 $0x19C00, s8;
	s8 =	sadd.s32 $0x2800, s6;
	s9 =	sadd.s32 $0x5000, s6  }
0x12: {  	s10 =	sadd.s32 $0x7800, s6;
	s11 =	sadd.s32 $0xA000, s6;
	s12 =	sadd.s32 $0xC800, s6  }
0x13: {  	v0 =	vimm.f32 $0.0e+00;
	s13 =	sadd.s32 $0xF000, s6;
	s14 =	sadd.s32 $0x11800, s6;
	s15 =	sadd.s32 $0x23A00, s15  }
.LBB2_1:
0x14: {  	[tilespmem:s4], [sflag:$0x3] =	stream.strided.gather [hbm4b:s5+s17], $0x2780, s18, s17, $0x38;
	[tilespmem:$0x1FF80] =	vst v63  }
0x15: {  	_ =	swait.ge [sflag:s19], $0x2780  }
0x16: {  	[sflag:s19] =	ssyncset.done $0x0  }
0x17: {  	[sflag:s19] =	ssyncadd.s32 $0xFFFFD880  }
0x18: {  	[tilespmem:s20], [sflag:$0x3] =	stream.linear.gather [hbm4b:s7+s4], $0x3480, $0x38;
	[tilespmem:$0x1FF80] =	vst v63  }
0x19: {  	_ =	swait.ge [sflag:s19], $0x3480  }
0x1a: {  	[sflag:s19] =	ssyncset.done $0x0  }
0x1b: {  	s29 =	simm.s32 $0x0;
	s30 =	simm.s32 $0x200;
	[sflag:s19] =	ssyncadd.s32 $0xFFFFCB80  }
.LBB2_2:
0x1c: {  	p0 =	sne.s32 s30, $0xBE00;
	[tilespmem:s29+$0x5FF0] =	vst v0  }
0x1d: {  	[tilespmem:s29+$0x5F80] =	vst v0  }
0x1e: {  	[tilespmem:s29+$0x5F90] =	vst v0  }
.Ltmp0:
0x1f: {  	[tilespmem:s29+$0x5FA0] =	vst v0;
	(pc) =	sbr.rel @p0 .LBB2_2-.Ltmp0, $4  }
0x20: {  	[tilespmem:s29+$0x5FB0] =	vst v0  }
0x21: {  	[tilespmem:s29+$0x5FC0] =	vst v0  }
0x22: {  	[tilespmem:s29+$0x5FD0] =	vst v0  }
0x23: {  	[tilespmem:s29+$0x5FE0] =	vst v0;
	s29 =	sshra.s32 s30, $0x2;
	s30 =	sadd.s32 $0x200, s30  }
0x24: {  	[tilespmem:s29+$0x5FF0] =	vst v0  }
0x25: {  	[tilespmem:s29+$0x5F80] =	vst v0  }
0x26: {  	[tilespmem:s29+$0x5F90] =	vst v0  }
0x27: {  	[tilespmem:s29+$0x5FA0] =	vst v0  }
0x28: {  	[tilespmem:s29+$0x5FB0] =	vst v0  }
0x29: {  	[tilespmem:s29+$0x5FC0] =	vst v0  }
0x2a: {  	[tilespmem:s29+$0x5FD0] =	vst v0  }
0x2b: {  	[tilespmem:s29+$0x5FE0] =	vst v0  }
0x2c: {  	[spmem:s6] =	stream.linear.scatter [tilespmem:s21], [sflag:$0x3], $0x2800, $0x38;
	[tilespmem:$0x1FF80] =	vst v63  }
0x2d: {  	_ =	swait.ge [sflag:s19], $0x2800  }
0x2e: {  	[sflag:s19] =	ssyncset.done $0x0  }
0x2f: {  	[sflag:s19] =	ssyncadd.s32 $0xFFFFD800  }
0x30: {  	[spmem:s8] =	stream.linear.scatter [tilespmem:s21], [sflag:$0x3], $0x2800, $0x38;
	[tilespmem:$0x1FF80] =	vst v63  }
0x31: {  	_ =	swait.ge [sflag:s19], $0x2800  }
0x32: {  	[sflag:s19] =	ssyncset.done $0x0  }
0x33: {  	[sflag:s19] =	ssyncadd.s32 $0xFFFFD800  }
0x34: {  	[spmem:s9] =	stream.linear.scatter [tilespmem:s21], [sflag:$0x3], $0x2800, $0x38;
	[tilespmem:$0x1FF80] =	vst v63  }
0x35: {  	_ =	swait.ge [sflag:s19], $0x2800  }
0x36: {  	[sflag:s19] =	ssyncset.done $0x0  }
0x37: {  	[sflag:s19] =	ssyncadd.s32 $0xFFFFD800  }
0x38: {  	[spmem:s10] =	stream.linear.scatter [tilespmem:s21], [sflag:$0x3], $0x2800, $0x38;
	[tilespmem:$0x1FF80] =	vst v63  }
0x39: {  	_ =	swait.ge [sflag:s19], $0x2800  }
0x3a: {  	[sflag:s19] =	ssyncset.done $0x0  }
0x3b: {  	[sflag:s19] =	ssyncadd.s32 $0xFFFFD800  }
0x3c: {  	[spmem:s11] =	stream.linear.scatter [tilespmem:s21], [sflag:$0x3], $0x2800, $0x38;
	[tilespmem:$0x1FF80] =	vst v63  }
0x3d: {  	_ =	swait.ge [sflag:s19], $0x2800  }
0x3e: {  	[sflag:s19] =	ssyncset.done $0x0  }
0x3f: {  	[sflag:s19] =	ssyncadd.s32 $0xFFFFD800  }
0x40: {  	[spmem:s12] =	stream.linear.scatter [tilespmem:s21], [sflag:$0x3], $0x2800, $0x38;
	[tilespmem:$0x1FF80] =	vst v63  }
0x41: {  	_ =	swait.ge [sflag:s19], $0x2800  }
0x42: {  	[sflag:s19] =	ssyncset.done $0x0  }
0x43: {  	[sflag:s19] =	ssyncadd.s32 $0xFFFFD800  }
0x44: {  	[spmem:s13] =	stream.linear.scatter [tilespmem:s21], [sflag:$0x3], $0x2800, $0x38;
	[tilespmem:$0x1FF80] =	vst v63  }
0x45: {  	_ =	swait.ge [sflag:s19], $0x2800  }
0x46: {  	[sflag:s19] =	ssyncset.done $0x0  }
0x47: {  	[sflag:s19] =	ssyncadd.s32 $0xFFFFD800  }
0x48: {  	[spmem:s14] =	stream.linear.scatter [tilespmem:s21], [sflag:$0x3], $0x2800, $0x38;
	[tilespmem:$0x1FF80] =	vst v63  }
0x49: {  	_ =	swait.ge [sflag:s19], $0x2800  }
0x4a: {  	[sflag:s19] =	ssyncset.done $0x0  }
0x4b: {  	[sflag:s19] =	ssyncadd.s32 $0xFFFFD800  }
0x4c: {  	s29 =	simm.s32 $0x0;
	[bflag:$0x0] =	sbarrier.arrive $0xFFFF  }
0x4d: {  	[tilespmem:s21], [sflag:$0x1] =	stream.indirect.gather [hbm4b:s2+s22], $0x80, s29, s22, $0xb8;
	[tilespmem:$0x1FF80] =	vst v63  }
0x4e: {  	s29 =	simm.s32 $0x60  }
0x4f: {  	[tilespmem:s23], [sflag:$0x2] =	stream.indirect.gather [hbm4b:s2+s22], $0x80, s29, s22, $0xb8;
	[tilespmem:$0x1FF80] =	vst v63  }
0x50: {  	_ =	swait.ge [sflag:s24], $0x3000  }
0x51: {  	[sflag:s24] =	ssyncset.done $0x0  }
0x52: {  	s29 =	simm.s32 $0x2780;
	[sflag:s24] =	ssyncadd.s32 $0xFFFFD000  }
0x53: {  	[spmem:s3] =	stream.indirect.scatter.add.f32 [tilespmem:s21], [sflag:$0x3], $0x80, s29, s22, $0xb8;
	[tilespmem:$0x1FF80] =	vst v63  }
0x54: {  	_ =	swait.ge [sflag:s19], $0x3000  }
0x55: {  	[sflag:s19] =	ssyncset.done $0x0  }
0x56: {  	s29 =	simm.s32 $0xC0;
	[sflag:s19] =	ssyncadd.s32 $0xFFFFD000  }
0x57: {  	[tilespmem:s21], [sflag:$0x1] =	stream.indirect.gather [hbm4b:s2+s22], $0x80, s29, s22, $0xb8;
	[tilespmem:$0x1FF80] =	vst v63  }
0x58: {  	_ =	swait.ge [sflag:s25], $0x3000  }
0x59: {  	[sflag:s25] =	ssyncset.done $0x0  }
0x5a: {  	s29 =	simm.s32 $0x2800;
	[sflag:s25] =	ssyncadd.s32 $0xFFFFD000  }
0x5b: {  	[spmem:s3] =	stream.indirect.scatter.add.f32 [tilespmem:s23], [sflag:$0x3], $0x80, s29, s22, $0xb8;
	[tilespmem:$0x1FF80] =	vst v63  }
0x5c: {  	s30 =	simm.s32 $0x400;
	_ =	swait.ge [sflag:s19], $0x3000  }
0x5d: {  	s31 =	simm.s32 $0x800;
	s29 =	simm.s32 $0x180;
	[sflag:s19] =	ssyncset.done $0x0  }
.LBB2_4:
0x5e: {  	p0 =	sne.s32 s31, $0xCC00;
	s1 =	sadd.s32 $0xFFFFFFA0, s29;
	[sflag:s19] =	ssyncadd.s32 $0xFFFFD000  }
0x5f: {  	[tilespmem:s23], [sflag:$0x2] =	stream.indirect.gather [hbm4b:s2+s22], $0x80, s1, s22, $0xb8;
	[tilespmem:$0x1FF80] =	vst v63  }
0x60: {  	s1 =	smov.u32 s31;
	s31 =	sadd.s32 $0x400, s31;
	_ =	swait.ge [sflag:s24], $0x3000  }
0x61: {  	s0 =	sshra.s32 s30, $0x2;
	s30 =	smov.u32 s1;
	[sflag:s24] =	ssyncset.done $0x0  }
0x62: {  	s1 =	sadd.s32 $0x2780, s0;
	[sflag:s24] =	ssyncadd.s32 $0xFFFFD000  }
0x63: {  	[spmem:s3] =	stream.indirect.scatter.add.f32 [tilespmem:s21], [sflag:$0x3], $0x80, s1, s22, $0xb8;
	[tilespmem:$0x1FF80] =	vst v63  }
0x64: {  	_ =	swait.ge [sflag:s19], $0x3000  }
0x65: {  	[sflag:s19] =	ssyncset.done $0x0  }
0x66: {  	[sflag:s19] =	ssyncadd.s32 $0xFFFFD000  }
0x67: {  	[tilespmem:s21], [sflag:$0x1] =	stream.indirect.gather [hbm4b:s2+s22], $0x80, s29, s22, $0xb8;
	[tilespmem:$0x1FF80] =	vst v63  }
0x68: {  	_ =	swait.ge [sflag:s25], $0x3000  }
.Ltmp1:
0x69: {  	[sflag:s25] =	ssyncset.done $0x0;
	(pc) =	sbr.rel @p0 .LBB2_4-.Ltmp1, $4  }
0x6a: {  	s0 =	sadd.s32 $0x2800, s0;
	[sflag:s25] =	ssyncadd.s32 $0xFFFFD000  }
0x6b: {  	[spmem:s3] =	stream.indirect.scatter.add.f32 [tilespmem:s23], [sflag:$0x3], $0x80, s0, s22, $0xb8;
	[tilespmem:$0x1FF80] =	vst v63  }
0x6c: {  	_ =	swait.ge [sflag:s19], $0x3000  }
0x6d: {  	s29 =	sadd.s32 $0xC0, s29;
	[sflag:s19] =	ssyncset.done $0x0  }
0x6e: {  	s0 =	sadd.s32 $0xFFFFFFA0, s29;
	[sflag:s19] =	ssyncadd.s32 $0xFFFFD000  }
0x6f: {  	[tilespmem:s23], [sflag:$0x2] =	stream.indirect.gather [hbm4b:s2+s22], $0x80, s0, s22, $0xb8;
	[tilespmem:$0x1FF80] =	vst v63  }
0x70: {  	_ =	swait.ge [sflag:s24], $0x3000  }
0x71: {  	s31 =	sshra.s32 s30, $0x2;
	[sflag:s24] =	ssyncset.done $0x0  }
0x72: {  	s1 =	sadd.s32 $0x2780, s31;
	[sflag:s24] =	ssyncadd.s32 $0xFFFFD000  }
0x73: {  	[spmem:s3] =	stream.indirect.scatter.add.f32 [tilespmem:s21], [sflag:$0x3], $0x80, s1, s22, $0xb8;
	[tilespmem:$0x1FF80] =	vst v63  }
0x74: {  	_ =	swait.ge [sflag:s19], $0x3000  }
0x75: {  	[sflag:s19] =	ssyncset.done $0x0  }
0x76: {  	[sflag:s19] =	ssyncadd.s32 $0xFFFFD000  }
0x77: {  	[tilespmem:s21], [sflag:$0x1] =	stream.indirect.gather [hbm4b:s2+s22], $0x80, s29, s22, $0xb8;
	[tilespmem:$0x1FF80] =	vst v63  }
0x78: {  	_ =	swait.ge [sflag:s25], $0x3000  }
0x79: {  	[sflag:s25] =	ssyncset.done $0x0  }
0x7a: {  	s0 =	sadd.s32 $0x2800, s31;
	[sflag:s25] =	ssyncadd.s32 $0xFFFFD000  }
0x7b: {  	[spmem:s3] =	stream.indirect.scatter.add.f32 [tilespmem:s23], [sflag:$0x3], $0x80, s0, s22, $0xb8;
	[tilespmem:$0x1FF80] =	vst v63  }
0x7c: {  	_ =	swait.ge [sflag:s19], $0x3000  }
0x7d: {  	[sflag:s19] =	ssyncset.done $0x0  }
0x7e: {  	[sflag:s19] =	ssyncadd.s32 $0xFFFFD000  }
0x7f: {  	_ =	swait.ge [sflag:s24], $0x3000  }
0x80: {  	[sflag:s24] =	ssyncset.done $0x0  }
0x81: {  	[sflag:s24] =	ssyncadd.s32 $0xFFFFD000  }
0x82: {  	[spmem:s3] =	stream.indirect.scatter.add.f32 [tilespmem:s21], [sflag:$0x3], $0x80, s26, s22, $0xb8;
	[tilespmem:$0x1FF80] =	vst v63  }
0x83: {  	s30 =	stileid.u32;
	_ =	swait.ge [sflag:s19], $0x3000  }
0x84: {  	s28 =	sadd.s32 $0x1, s28;
	s31 =	sshrl.u32 s6, $0x3;
	[sflag:s19] =	ssyncset.done $0x0  }
0x85: {  	p0 =	sne.s32 s28, s16;
	s0 =	sshll.u32 s30, $0x6;
	[sflag:s19] =	ssyncadd.s32 $0xFFFFD000  }
.Ltmp2:
0x86: {  	s0 =	sor.u32 $0x1C03, s0;
	[bflag:$0x0] =	sbarrier.arrive $0xFFFF;
	(pc) =	sbr.rel @p0 .LBB2_1-.Ltmp2, $4  }
0x87: {  	[hbm:s15], [sflag:s0] =	dma.local [spmem:s31], $0x2800  }
0x88: {  	_ =	swait.ge [sflag:s19], $0x2800  }
0x89: {  	[sflag:s19] =	ssyncset.done $0x0  }
0x8a: {  	[sflag:s19] =	ssyncadd.s32 $0xFFFFD800  }
0x8b: {  	_ =	sfence.sel $0x180000  }
0x8c: {  	[bflag:$0x0] =	sbarrier.arrive $0xFFFF  }
0x8d: {  	_ =	strace $0x9000004D  }
0x8e: {  	s0 =	stileid.u32;
	[bflag:$0x2] =	sbarrier.arrive $0xFFFF  }
0x8f: {  	p0 =	sne.s32 s0, $0x0;
	s0 =	rddreg [dreg:$0x3]  }
0x90: {  	s0 =	sadd.s32 @!p0 $0x100000, s0  }
0x91: {  	[sflag:s0] =	ssyncadd.tile.s32 @!p0 $0x1;
	_ =	shalt  }
.Lfunc_end2:
_tile_overlayer_lowered:
.L_overlay_start_2:
0x92: {  	(tag) =	ssettag $0x2  }
0x93: {  	s0 =	rddreg [dreg:$0x0];
	s2 =	stileid.u32  }
0x94: {  	s1 =	rddreg [dreg:$0x1];
	p0 =	sne.s32 s2, $0x0  }
0x95: {  	s3 =	rddreg [dreg:$0x2];
	[bflag:$0x3] =	sbarrier.arrive $0xFFFF;
	s2 =	simm.s32 @!p0 $0x1C03  }
0x96: {  	[timem:s3], [sflag:s2] =	dma.local @!p0 [hbm:s0], s1  }
0x97: {  	s0 =	simm.s32 @!p0 $0x3  }
0x98: {  	_ =	swait.ge @!p0 [sflag:s0], s1  }
0x99: {  	s1 =	ssub.s32 @!p0 $0x0, s1;
	[sflag:s0] =	ssyncset.done @!p0 $0x0  }
0x9a: {  	[sflag:s0] =	ssyncadd.s32 @!p0 s1  }
0x9b: {  	[bflag:$0x3] =	sbarrier.arrive $0xFFFF  }
0x9c: {  	_ =	shalt  }

// kernel: kernel.9.cloned.1.call-start
scs
__scs_entry_jumppad:
0x0: {  	(pc) =	sbr.rel $0x88, $3  }
0x1: {  	(tag) =	ssettag $0x0;
	lr =	simm.s32 $0x1  }
0x2: {  	[smem:$0x3F9B] =	sst lr;
	_ =	strace $0xD0000000  }
0x3: {  	_ = 	snop  }
0x4: {  	_ = 	snop  }
0x5: {  	_ = 	snop  }
0x6: {  	_ = 	snop  }
0x7: {  	_ = 	snop  }
__scs_overlays_trampoline_lowered:
0x8: {  	[smem:$0x3FAA] =	sst s0  }
0x9: {  	[smem:$0x3FAB] =	sst s1  }
0xa: {  	[smem:$0x3FAC] =	sst s2  }
0xb: {  	[smem:$0x3FAD] =	sst s3  }
0xc: {  	[smem:$0x3FAE] =	sst s4  }
0xd: {  	[smem:$0x3FAF] =	sst s5  }
0xe: {  	[smem:$0x3FB0] =	sst s6  }
0xf: {  	[smem:$0x3FB1] =	sst s7  }
0x10: {  	[smem:$0x3FB2] =	sst s8  }
0x11: {  	[smem:$0x3FB3] =	sst s9;
	s0 =	simm.s32 @!p0 $0x0  }
0x12: {  	s1 =	sld [smem:$0x3F99];
	s0 =	simm.s32 @p0 $0x1  }
0x13: {  	[smem:$0x3FB4] =	sst s0;
	s0 =	simm.s32 @!p1 $0x0  }
0x14: {  	s2 =	sld [smem:$0x3F98];
	s0 =	simm.s32 @p1 $0x1  }
0x15: {  	[smem:$0x3FB5] =	sst s0;
	s0 =	simm.s32 @!p2 $0x0  }
0x16: {  	s3 =	sld [smem:$0x3FDB];
	s0 =	simm.s32 @p2 $0x1  }
0x17: {  	s4 =	simm.s32 $0x1BF5;
	[smem:$0x3FB7] =	sst s0  }
0x18: {  	s0 =	sld [smem:$0x3F9A];
	_ =	swait.ge [sflag:s4], $0x0  }
0x19: {  	s7 =	sld [smem:$0x3F9B]  }
0x1a: {  	s8 =	sadd.s32 $0xFFFFE003, lr  }
0x1b: {  	s9 =	sadd.s32 $0xFFFFFEF7, lr;
	s5 =	simm.s32 $0xFFFFFFFF;
	p2 =	slt.u32 s8, $0xFFFFF086  }
0x1c: {  	p1 =	slt.u32 s9, $0xF7A;
	s5 =	simm.s32 @!p2 $0x0  }
0x1d: {  	s5 =	simm.s32 @p1 $0x1;
	p0 =	seq.s32 s7, s2  }
0x1e: {  	s7 =	smul.u32 @!p0 $0xF7A, s2;
	p2 =	seq.s32 @!p0 s5, $0x0  }
0x1f: {  	s9 =	smul.u32 $0xF7A, s1;
	s8 =	simm.s32 @!p0 $0x1BF5;
	p2 =	por !p2, p0  }
0x20: {  	[sflag:s8] =	ssyncset.s32 @!p0 $0xFFFFF086;
	s6 =	sadd.s32 @!p0 s3, s7;
	s7 =	simm.s32 @!p0 $0x108  }
0x21: {  	s3 =	sadd.s32 s3, s9;
	s6 =	sadd.s32 @!p0 $0x88, s6;
	s7 =	simm.s32 @p2 $0x1082  }
0x22: {  	[simem:s7], [sflag:s8] =	dma.local @!p0 [hbm:s6], $0xF7A  }
0x23: {  	s9 =	sor.u32 $0xD0000000, s2;
	s6 =	simm.s32 $0x108;
	_ =	swait.ge @!p0 [sflag:s8], $0x0  }
0x24: {  	s3 =	sadd.s32 $0x88, s3;
	s6 =	simm.s32 @!p1 $0x1082;
	[sflag:s4] =	ssyncset.s32 $0xFFFFF086  }
0x25: {  	[simem:s6], [sflag:s4] =	dma.local [hbm:s3], $0xF7A  }
0x26: {  	[smem:$0x3F9B] =	sst s1;
	(tag) =	ssettag s2;
	_ =	strace s9  }
0x27: {  	s1 =	sld [smem:$0x3FAB]  }
0x28: {  	s2 =	sld [smem:$0x3FAC]  }
0x29: {  	s4 =	sld [smem:$0x3FAE]  }
0x2a: {  	p0 =	seq.s32 s5, $0x0;
	s5 =	sld [smem:$0x3FAF]  }
0x2b: {  	s6 =	sld [smem:$0x3FB0]  }
0x2c: {  	s7 =	sld [smem:$0x3FB1]  }
0x2d: {  	s3 =	simm.s32 $0x108;
	s8 =	sld [smem:$0x3FB2]  }
0x2e: {  	s3 =	simm.s32 @!p0 $0x1082;
	s9 =	sld [smem:$0x3FB3]  }
0x2f: {  	lr =	sadd.s32 s0, s3;
	s0 =	sld [smem:$0x3FAA]  }
0x30: {  	s3 =	sld [smem:$0x3FAD]  }
0x31: {  	[smem:$0x3FB6] =	sst s10  }
0x32: {  	s10 =	sld [smem:$0x3FB4];
	_ =	sdelay $0x3  }
0x33: {  	p0 =	seq.s32 s10, $0x1;
	s10 =	sld [smem:$0x3FB6];
	_ =	sdelay $0x3  }
0x34: {  	[smem:$0x3FB6] =	sst s10  }
0x35: {  	s10 =	sld [smem:$0x3FB5];
	_ =	sdelay $0x3  }
0x36: {  	p1 =	seq.s32 s10, $0x1;
	s10 =	sld [smem:$0x3FB6];
	_ =	sdelay $0x3  }
0x37: {  	[smem:$0x3FB6] =	sst s10  }
0x38: {  	s10 =	sld [smem:$0x3FB7]  }
0x39: {  	_ = 	snop;
	(pc) =	sbr.ind lr, $3  }
0x3a: {  	_ = 	snop  }
0x3b: {  	_ = 	snop  }
0x3c: {  	p2 =	seq.s32 s10, $0x1;
	s10 =	sld [smem:$0x3FB6]  }
0x3d: {  	_ =	shalt  }
0x3e: {  	_ =	shalt  }
0x3f: {  	_ =	shalt  }
0x40: {  	_ =	shalt  }
0x41: {  	_ =	shalt  }
0x42: {  	_ =	shalt  }
0x43: {  	_ =	shalt  }
0x44: {  	_ =	shalt  }
0x45: {  	_ =	shalt  }
0x46: {  	_ =	shalt  }
0x47: {  	_ =	shalt  }
0x48: {  	_ =	shalt  }
0x49: {  	_ =	shalt  }
0x4a: {  	_ =	shalt  }
0x4b: {  	_ =	shalt  }
0x4c: {  	_ =	shalt  }
0x4d: {  	_ =	shalt  }
0x4e: {  	_ =	shalt  }
0x4f: {  	_ =	shalt  }
0x50: {  	_ =	shalt  }
0x51: {  	_ =	shalt  }
0x52: {  	_ =	shalt  }
0x53: {  	_ =	shalt  }
0x54: {  	_ =	shalt  }
0x55: {  	_ =	shalt  }
0x56: {  	_ =	shalt  }
0x57: {  	_ =	shalt  }
0x58: {  	_ =	shalt  }
0x59: {  	_ =	shalt  }
0x5a: {  	_ =	shalt  }
0x5b: {  	_ =	shalt  }
0x5c: {  	_ =	shalt  }
0x5d: {  	_ =	shalt  }
0x5e: {  	_ =	shalt  }
0x5f: {  	_ =	shalt  }
0x60: {  	_ =	shalt  }
0x61: {  	_ =	shalt  }
0x62: {  	_ =	shalt  }
0x63: {  	_ =	shalt  }
0x64: {  	_ =	shalt  }
0x65: {  	_ =	shalt  }
0x66: {  	_ =	shalt  }
0x67: {  	_ =	shalt  }
0x68: {  	_ =	shalt  }
0x69: {  	_ =	shalt  }
0x6a: {  	_ =	shalt  }
0x6b: {  	_ =	shalt  }
0x6c: {  	_ =	shalt  }
0x6d: {  	_ =	shalt  }
0x6e: {  	_ =	shalt  }
0x6f: {  	_ =	shalt  }
0x70: {  	_ =	shalt  }
0x71: {  	_ =	shalt  }
0x72: {  	_ =	shalt  }
0x73: {  	_ =	shalt  }
0x74: {  	_ =	shalt  }
0x75: {  	_ =	shalt  }
0x76: {  	_ =	shalt  }
0x77: {  	_ =	shalt  }
0x78: {  	_ =	shalt  }
0x79: {  	_ =	shalt  }
0x7a: {  	_ =	shalt  }
0x7b: {  	_ =	shalt  }
0x7c: {  	_ =	shalt  }
0x7d: {  	_ =	shalt  }
0x7e: {  	_ =	shalt  }
0x7f: {  	_ =	shalt  }
0x80: {  	_ =	shalt  }
0x81: {  	_ =	shalt  }
0x82: {  	_ =	shalt  }
0x83: {  	_ =	shalt  }
0x84: {  	_ =	shalt  }
0x85: {  	_ =	shalt  }
0x86: {  	_ =	shalt  }
0x87: {  	_ =	shalt  }
.Lfunc_end0:
.L_simem_size_0:
called_computation_lowered:
.L_overlay_start_0:
0x88: {  	s2 =	sld [smem:$0x3FD9]  }
0x89: {  	s3 =	sld [smem:$0x3FFE];
	_ =	sdelay $0x1  }
0x8a: {  	s1 =	srdreg.scid  }
0x8b: {  	s0 =	sand.u32 $0x1, s1  }
0x8c: {  	s17 =	sshll.u32 s0, $0xA;
	s2 =	sadd.s32 s3, s2  }
0x8d: {  	s2 =	sadd.s32 s2, s17  }
0x8e: {  	[smem:$0x3FC2] =	sst s2  }
0x8f: {  	_ = 	snop  }
0x90: {  	s2 =	sld [smem:$0x3FD0];
	(tm) =	ssettm $0x1  }
0x91: {  	s18 =	sld [smem:$0x3FFB];
	_ =	sdelay $0x3  }
0x92: {  	_ =	strace s18  }
0x93: {  	s3 =	sld [smem:$0x3FFC];
	_ =	sdelay $0x3  }
0x94: {  	_ =	strace s3  }
0x95: {  	s3 =	sld [smem:$0x3FFD];
	_ =	sdelay $0x3  }
0x96: {  	_ =	strace s3  }
0x97: {  	_ =	strace $0x8FFFFFFF  }
0x98: {  	s19 =	sld [smem:$0x3FDB];
	_ =	sdelay $0x1  }
0x99: {  	s4 =	simm.s32 $_scs_section_size  }
0x9a: {  	s5 =	simm.s32 $_size__tile_overlayer_lowered;
	s6 =	simm.s32 $_tile_overlayer_lowered  }
0x9b: {  	s22 =	simm.s32 $0x1BFF;
	s21 =	sshll.u32 s6, $0x1;
	s3 =	sadd.s32 s4, s19  }
0x9c: {  	s7 =	simm.s32 $0x0;
	s20 =	sshll.u32 s5, $0x1;
	s5 =	sadd.s32 s21, s3  }
0x9d: {  	[timem:s7], [sflag:s22] =	dma.local [hbm:s5], s20  }
0x9e: {  	_ =	swait.ge [sflag:s22], s20  }
0x9f: {  	s4 =	ssub.s32 $0x0, s20;
	[sflag:s22] =	ssyncset.done $0x0  }
0xa0: {  	[sflag:s22] =	ssyncadd.s32 s4;
	_ =	sdelay $0x1  }
0xa1: {  	s23 =	simm.s32 $0x1B8B  }
0xa2: {  	_ =	swait.ge [sflag:s23], $0x1  }
0xa3: {  	[sflag:s23] =	ssyncset.done $0x0  }
0xa4: {  	s25 =	simm.s32 $0x1B8E;
	s24 =	sld [smem:$0x3FFE];
	[sflag:s23] =	ssyncadd.s32 $0xFFFFFFFF  }
0xa5: {  	s26 =	simm.s32 $execute0_lowered;
	[smem:$0x3FD2] =	sst s25  }
0xa6: {  	s5 =	sshll.u32 s26, $0x1;
	_ =	strace $0x80000046;
	[dreg:$0x1] =	wrdreg $0xFFFFFFFF  }
0xa7: {  	s28 =	simm.s32 $_size_execute0_lowered;
	s3 =	sadd.s32 s3, s5;
	[dreg:$0x0] =	wrdreg $0x0  }
0xa8: {  	s5 =	sshll.u32 s28, $0x1;
	[dreg:$0x2] =	wrdreg s3  }
0xa9: {  	[dreg:$0x3] =	wrdreg s5  }
0xaa: {  	[dreg:$0x4] =	wrdreg $0xC0  }
0xab: {  	_ =	task [dreg:s7], $0x5FFFF  }
0xac: {  	[dreg:$0x1] =	wrdreg $0xFFFFFFFF  }
0xad: {  	[dreg:$0x0] =	wrdreg $0x60  }
0xae: {  	[dreg:$0x2] =	wrdreg s24  }
0xaf: {  	[dreg:$0x3] =	wrdreg s2  }
0xb0: {  	[dreg:$0x4] =	wrdreg $0x9  }
0xb1: {  	_ =	task.clear_ibuf [dreg:s7], $0x5FFFF;
	_ =	strace $0x90000046  }
0xb2: {  	s29 =	simm.s32 $0x9;
	_ =	strace $0x80000048  }
0xb3: {  	_ =	swait.ge [sflag:s29], $0x1  }
0xb4: {  	[sflag:s29] =	ssyncadd.s32 $0xFFFFFFFF  }
0xb5: {  	_ =	strace $0x90000048  }
0xb6: {  	_ =	sfence  }
0xb7: {  	s30 =	sld [smem:$0x0];
	_ =	sdelay $0x2  }
0xb8: {  	s31 =	sshll.u32 s1, $0xD;
	s1 =	sshrl.u32 s1, $0x2  }
0xb9: {  	s3 =	sand.u32 $0x4000, s31;
	s1 =	sadd.s32 s1, s30  }
0xba: {  	s0 =	sor.u32 s3, s0;
	s1 =	sshll.u32 s1, $0x11  }
0xbb: {  	s0 =	sor.u32 s1, s0  }
0xbc: {  	s0 =	sadd.s32 $0x8F2B, s0  }
0xbd: {  	[sflag:s0] =	ssyncadd.remote.s32 $0x1  }
0xbe: {  	_ =	sfence.sel $0xFFFF  }
0xbf: {  	[dreg:$0x0] =	wrdreg $0xFFFFFFFF;
	(pc) =	sbr.abs _section_cstart, $3  }
0xc0: {  	[dreg:$0x1] =	wrdreg $0xFFFFFFFF  }
0xc1: {  	_ =	task.clear_ibuf [dreg:s7], $0x2FFFF;
	_ =	strace $0x9FFFFFFF  }
0xc2: {  	(tm) =	ssettm $0x7FFFFFFF  }
0xc3: {  	_ =	shalt  }
tec
execute0_lowered:
.L_overlay_start_1:
0x0: {  	(tag) =	ssettag $0x1  }
0x1: {  	s0 =	srdreg.scid  }
0x2: {  	s3 =	rddreg [dreg:$0x0];
	s4 =	sand.u32 $0x1, s0  }
0x3: {  	s5 =	rddreg [dreg:$0x1];
	s1 =	stileid.u32;
	s2 =	sshll.u32 s4, $0x4  }
0x4: {  	s0 =	rddreg [dreg:$0x2];
	s6 =	sor.u32 s1, s2  }
0x5: {  	s4 =	ssub.s32 $0x2, s4;
	s2 =	simm.s32 $0x0;
	s7 =	smul.u32 $0x4E8, s6  }
0x6: {  	s8 =	sshrl.u32 s4, $0x1;
	[smem:$0x7FF] =	sst s2;
	s6 =	smul.u32 $0x500, s6  }
0x7: {  	s31 =	ssub.s32 s4, s8;
	s8 =	simm.s32 $0x0;
	_ =	strace $0x80000047  }
0x8: {  	s3 =	sadd.s32 s7, s3;
	s4 =	sadd.s32 s5, s6;
	s5 =	smax.u32 s31, $0x1  }
0x9: {  	v0 =	vimm.f32 $0.0e+00;
	v1 =	vimm.f32 $1.000000000e+00;
	s6 =	simm.s32 $0x2800;
	s7 =	simm.s32 $0x1;
	s3 =	sadd.s32 $0x1E00, s3  }
.LBB2_1:
0xa: {  	s9 =	simm.s32 $0x40;
	s10 =	simm.s32 $0x0  }
.LBB2_2:
0xb: {  	p0 =	sne.s32 s9, $0x9FC0;
	[tilespmem:s10+$0x0] =	vst v0;
	s10 =	smov.u32 s9;
	s9 =	sadd.s32 $0x40, s9  }
.Ltmp0:
0xc: {  	(pc) =	sbr.rel @p0 .LBB2_2-.Ltmp0, $2  }
0xd: {  	_ =	sdelay $0x2  }
0xe: {  	s10 =	sshra.s32 s10, $0x2  }
0xf: {  	[tilespmem:s10+$0x0] =	vst v0;
	s9 =	simm.s32 $0x0  }
0x10: {  	[tilespmem:s6], [sflag:$0x1] =	stream.linear.gather [hbm4b:s3+s9], $0x2740, $0x38;
	[tilespmem:$0x4F80] =	vst v63  }
0x11: {  	_ =	swait.ge [sflag:s7], $0x2740  }
0x12: {  	[sflag:s7] =	ssyncset.done $0x0  }
0x13: {  	s10 =	simm.s32 $0x0;
	s9 =	simm.s32 $0x40;
	[sflag:s7] =	ssyncadd.s32 $0xFFFFD8C0  }
.LBB2_4:
0x14: {  	p0 =	sne.s32 s9, $0x9CC0;
	v2 =	vld [tilespmem:s10+$0x2800];
	_ =	sdelay $0x3  }
.Ltmp1:
0x15: {  	(pc) =	sbr.rel @p0 .LBB2_4-.Ltmp1, $2  }
0x16: {  	_ =	sdelay $0x2  }
0x17: {  	s10 =	sshra.s32 s9, $0x2;
	s9 =	sadd.s32 $0x40, s9;
	[tilespmem:v2+s2+$0x0] =	vst.idx.add.f32.msk $0xffff, v1  }
0x18: {  	v2 =	vld [tilespmem:s10+$0x2800];
	_ =	sdelay $0x5  }
0x19: {  	s8 =	sadd.s32 $0x1, s8  }
0x1a: {  	p0 =	sne.s32 s8, s5  }
.Ltmp2:
0x1b: {  	[tilespmem:v2+s2+$0x0] =	vst.idx.add.f32.msk $0xffff, v1;
	(pc) =	sbr.rel @p0 .LBB2_1-.Ltmp2, $4  }
0x1c: {  	[hbm4b:s4+s2] =	stream.linear.scatter [tilespmem:s2], [sflag:$0x1], $0x2800, $0x38;
	[tilespmem:$0x4F80] =	vst v63  }
0x1d: {  	_ =	swait.ge [sflag:s7], $0x2800  }
0x1e: {  	[sflag:s7] =	ssyncset.done $0x0  }
0x1f: {  	[sflag:s7] =	ssyncadd.s32 $0xFFFFD800  }
0x20: {  	_ =	sfence.sel $0x180000  }
0x21: {  	[bflag:$0x0] =	sbarrier.arrive $0xFFFF  }
0x22: {  	p0 =	sne.s32 s1, $0x0;
	_ =	strace $0x90000047  }
0x23: {  	s0 =	sadd.s32 @!p0 $0x100000, s0;
	[bflag:$0x2] =	sbarrier.arrive $0xFFFF  }
0x24: {  	[sflag:s0] =	ssyncadd.tile.s32 @!p0 $0x1;
	_ =	shalt  }
.Lfunc_end2:
_tile_overlayer_lowered:
.L_overlay_start_2:
0x25: {  	(tag) =	ssettag $0x2  }
0x26: {  	s0 =	rddreg [dreg:$0x0];
	s2 =	stileid.u32  }
0x27: {  	s1 =	rddreg [dreg:$0x1];
	p0 =	sne.s32 s2, $0x0  }
0x28: {  	s3 =	rddreg [dreg:$0x2];
	[bflag:$0x3] =	sbarrier.arrive $0xFFFF;
	s2 =	simm.s32 @!p0 $0x1C01  }
0x29: {  	[timem:s3], [sflag:s2] =	dma.local @!p0 [hbm:s0], s1  }
0x2a: {  	s0 =	simm.s32 @!p0 $0x1  }
0x2b: {  	_ =	swait.ge @!p0 [sflag:s0], s1  }
0x2c: {  	s1 =	ssub.s32 @!p0 $0x0, s1;
	[sflag:s0] =	ssyncset.done @!p0 $0x0  }
0x2d: {  	[sflag:s0] =	ssyncadd.s32 @!p0 s1  }
0x2e: {  	[bflag:$0x3] =	sbarrier.arrive $0xFFFF  }
0x2f: {  	_ =	shalt  }

</sc_bundles>
